<compile_context>
chip_gen: v7x
topology: tpu7x:2x2x1
jax: 0.10.2.dev20260603
libtpu: 0.0.44.dev20260713+nightly
codegen_flags: <defaults>
</compile_context>

<pallas_src>
import functools

import jax
import jax.numpy as jnp
from jax import lax
from jax.experimental import pallas as pl
from jax.experimental.pallas import tpu as pltpu
from jax.experimental.pallas import tpu_sc as plsc


def kernel(feature, row_embed, col_embed):
    B, C, H, W = feature.shape
    half = C // 2
    info = plsc.get_sparse_core_info()
    n_workers = info.num_cores * info.num_subcores
    h_per_w = H // n_workers
    mesh = plsc.VectorSubcoreMesh(core_axis_name="c", subcore_axis_name="s")

    @functools.partial(
        pl.kernel,
        mesh=mesh,
        out_type=jax.ShapeDtypeStruct((B, H, W, C), row_embed.dtype),
        scratch_types=[
            pltpu.VMEM((W, half), jnp.float32),
            pltpu.VMEM((h_per_w, W, half), jnp.float32),
            pltpu.VMEM((W,), jnp.int32),
            pltpu.SemaphoreType.DMA,
        ],
        compiler_params=pltpu.CompilerParams(use_tc_tiling_on_sc=False),
    )
    def _sc_pos_broadcast(row_hbm, col_hbm, out_hbm, colbuf, rowbuf, idx_v, sem):
        wid = lax.axis_index("s") * info.num_cores + lax.axis_index("c")
        pltpu.sync_copy(col_hbm.at[pl.ds(0, W), :], colbuf)
        for g in range(h_per_w):
            h = wid * h_per_w + g
            for t in range(W // 16):
                idx_v[pl.ds(16 * t, 16)] = jnp.full((16,), h, jnp.int32)
            pltpu.async_copy(row_hbm.at[idx_v], rowbuf.at[g], sem).wait()
        pending = []
        for g in range(h_per_w):
            h = wid * h_per_w + g
            for b in range(B):
                pending.append(
                    pltpu.async_copy(
                        colbuf, out_hbm.at[b, h, :, pl.ds(0, half)], sem
                    )
                )
                pending.append(
                    pltpu.async_copy(
                        rowbuf.at[g], out_hbm.at[b, h, :, pl.ds(half, half)], sem
                    )
                )
        for d in pending:
            d.wait()

    out = _sc_pos_broadcast(row_embed, col_embed)
    return jnp.transpose(out, (0, 3, 1, 2))

# --- scband reference (transcript-rebuilt; emitter-appended) ---
"""Pipeline reference for scband-multi-scale-positional-encoding-43997644981051 (READ-ONLY COPY).

The authoritative reference and input builder live on the scoring server;
editing this copy changes nothing except your own understanding.
"""

import jax, jax.numpy as jnp
import numpy as np


def setup_inputs(seed: int = 0) -> dict:
    key = jax.random.key(seed)
    k1, k2, k3 = jax.random.split(key, 3)
    feature = jax.random.normal(k1, (8, 384, 64, 64), dtype=jnp.float32)
    # nn.init.uniform_ -> U[0,1)
    row_embed = jax.random.uniform(k2, (128, 192), dtype=jnp.float32)
    col_embed = jax.random.uniform(k3, (128, 192), dtype=jnp.float32)
    return {"feature": feature, "row_embed": row_embed, "col_embed": col_embed}


def reference(feature, row_embed, col_embed):
    B = feature.shape[0]
    H = feature.shape[2]
    W = feature.shape[3]
    # embedding lookups (gather rows from learned tables)
    rows = jnp.take(row_embed, jnp.arange(H), axis=0)  # [H, hd/2]
    cols = jnp.take(col_embed, jnp.arange(W), axis=0)  # [W, hd/2]
    cols_e = jnp.broadcast_to(cols[None, :, :], (H, W, cols.shape[-1]))
    rows_e = jnp.broadcast_to(rows[:, None, :], (H, W, rows.shape[-1]))
    pos = jnp.concatenate([cols_e, rows_e], axis=-1)  # [H, W, hidden_dim]
    pos = jnp.transpose(pos, (2, 0, 1))[None]  # [1, hidden_dim, H, W]
    return jnp.broadcast_to(pos, (B, pos.shape[1], H, W))

if __name__ == "__main__":
    import jax
    _d = setup_inputs()
    print(jax.jit(kernel)(*tuple(_d.values())))

</pallas_src>

<mosaic_0001>
#map = affine_map<(d0, d1) -> (0, 0)>
#map1 = affine_map<(d0, d1) -> (0, 0, 0, 0)>
module attributes {stable_mosaic.version = 14 : i64} {
  func.func @_sc_pos_broadcast(%arg0: i32, %arg1: i32, %arg2: memref<128x192xf32, #tpu.memory_space<hbm>>, %arg3: memref<128x192xf32, #tpu.memory_space<hbm>>, %arg4: memref<8x64x64x384xf32, #tpu.memory_space<hbm>>, %arg5: memref<64x192xf32, #tpu.memory_space<vmem>>, %arg6: memref<2x64x192xf32, #tpu.memory_space<vmem>>, %arg7: memref<64xi32, #tpu.memory_space<vmem>>, %arg8: memref<!tpu.dma_semaphore, #tpu.memory_space<semaphore_mem>>) attributes {dimension_semantics = [#tpu.dimension_semantics<core_parallel>, #tpu.dimension_semantics<subcore_parallel>], iteration_bounds = array<i64: 2, 16>, scalar_prefetch = 0 : i64, scratch_operands = 4 : i64, tpu.core_type = #tpu.core_type<sc_vector_subcore>, window_params = [{transform_indices = #map}, {transform_indices = #map}, {transform_indices = #map1}]} {
    %mul3A = arith.constant 2 : i32
    %mul3A_0 = arith.muli %arg1, %mul3A : i32
    %add3A = arith.addi %mul3A_0, %arg0 : i32
    "tpu.region"() ({
      %run_scoped3A = tpu.sem_alloc : memref<!tpu.dma_semaphore, #tpu.memory_space<semaphore_mem>>
      %dma_start3A_949 = arith.constant 0 : i32
      %dma_start3A_950 = arith.constant 0 : i32
      %dma_start3A_951 = tpu.memref_slice %arg3[%dma_start3A_949, %dma_start3A_950] : memref<128x192xf32, #tpu.memory_space<hbm>> -> memref<64x192xf32, #tpu.memory_space<hbm>>
      %dma_start3A_952 = arith.constant 0 : i32
      %dma_start3A_953 = arith.constant 0 : i32
      %dma_start3A_954 = tpu.memref_slice %arg3[%dma_start3A_952, %dma_start3A_953] : memref<128x192xf32, #tpu.memory_space<hbm>> -> memref<64x192xf32, #tpu.memory_space<hbm>>
      tpu.enqueue_dma source(%dma_start3A_954 : memref<64x192xf32, #tpu.memory_space<hbm>>) target(%arg5 : memref<64x192xf32, #tpu.memory_space<vmem>>) target_semaphore(%run_scoped3A : memref<!tpu.dma_semaphore, #tpu.memory_space<semaphore_mem>>)
      %dma_wait3A_955 = arith.constant 0 : i32
      %dma_wait3A_956 = arith.constant 0 : i32
      %dma_wait3A_957 = tpu.memref_slice %arg3[%dma_wait3A_955, %dma_wait3A_956] : memref<128x192xf32, #tpu.memory_space<hbm>> -> memref<64x192xf32, #tpu.memory_space<hbm>>
      %dma_wait3A_958 = arith.constant 0 : i32
      %dma_wait3A_959 = arith.constant 0 : i32
      %dma_wait3A_960 = tpu.memref_slice %arg3[%dma_wait3A_958, %dma_wait3A_959] : memref<128x192xf32, #tpu.memory_space<hbm>> -> memref<64x192xf32, #tpu.memory_space<hbm>>
      tpu.wait_dma2 semaphore(%run_scoped3A : memref<!tpu.dma_semaphore, #tpu.memory_space<semaphore_mem>>) src(%dma_wait3A_960 : memref<64x192xf32, #tpu.memory_space<hbm>>) dst(%arg5 : memref<64x192xf32, #tpu.memory_space<vmem>>)
      tpu.yield
    }) : () -> ()
    %mul3A_1 = arith.constant 2 : i32
    %mul3A_2 = arith.muli %add3A, %mul3A_1 : i32
    %add3A_3 = arith.constant 0 : i32
    %add3A_4 = arith.addi %mul3A_2, %add3A_3 : i32
    %broadcast_in_dim3A = vector.broadcast %add3A_4 : i32 to vector<16xi32>
    %swap3A = arith.constant 0 : index
    %swap3A_5 = tpu.vector_load %arg7[%swap3A] {strides = array<i32>} : memref<64xi32, #tpu.memory_space<vmem>>, vector<16xi32>,
    %swap3A_6 = vector.shape_cast %swap3A_5 : vector<16xi32> to vector<16xi32>
    %swap3A_7 = vector.shape_cast %broadcast_in_dim3A : vector<16xi32> to vector<16xi32>
    tpu.vector_store %arg7[%swap3A], %swap3A_7 {strides = array<i32>} : memref<64xi32, #tpu.memory_space<vmem>>, vector<16xi32>,
    %broadcast_in_dim3A_8 = vector.broadcast %add3A_4 : i32 to vector<16xi32>
    %swap3A_9 = arith.constant 16 : index
    %swap3A_10 = tpu.vector_load %arg7[%swap3A_9] {strides = array<i32>} : memref<64xi32, #tpu.memory_space<vmem>>, vector<16xi32>,
    %swap3A_11 = vector.shape_cast %swap3A_10 : vector<16xi32> to vector<16xi32>
    %swap3A_12 = vector.shape_cast %broadcast_in_dim3A_8 : vector<16xi32> to vector<16xi32>
    tpu.vector_store %arg7[%swap3A_9], %swap3A_12 {strides = array<i32>} : memref<64xi32, #tpu.memory_space<vmem>>, vector<16xi32>,
    %broadcast_in_dim3A_13 = vector.broadcast %add3A_4 : i32 to vector<16xi32>
    %swap3A_14 = arith.constant 32 : index
    %swap3A_15 = tpu.vector_load %arg7[%swap3A_14] {strides = array<i32>} : memref<64xi32, #tpu.memory_space<vmem>>, vector<16xi32>,
    %swap3A_16 = vector.shape_cast %swap3A_15 : vector<16xi32> to vector<16xi32>
    %swap3A_17 = vector.shape_cast %broadcast_in_dim3A_13 : vector<16xi32> to vector<16xi32>
    tpu.vector_store %arg7[%swap3A_14], %swap3A_17 {strides = array<i32>} : memref<64xi32, #tpu.memory_space<vmem>>, vector<16xi32>,
    %broadcast_in_dim3A_18 = vector.broadcast %add3A_4 : i32 to vector<16xi32>
    %swap3A_19 = arith.constant 48 : index
    %swap3A_20 = tpu.vector_load %arg7[%swap3A_19] {strides = array<i32>} : memref<64xi32, #tpu.memory_space<vmem>>, vector<16xi32>,
    %swap3A_21 = vector.shape_cast %swap3A_20 : vector<16xi32> to vector<16xi32>
    %swap3A_22 = vector.shape_cast %broadcast_in_dim3A_18 : vector<16xi32> to vector<16xi32>
    tpu.vector_store %arg7[%swap3A_19], %swap3A_22 {strides = array<i32>} : memref<64xi32, #tpu.memory_space<vmem>>, vector<16xi32>,
    %dma_start3A = arith.constant 0 : i32
    %dma_start3A_23 = arith.constant 0 : i32
    %dma_start3A_24 = arith.constant 0 : i32
    %dma_start3A_25 = tpu.memref_slice %arg6[%dma_start3A, %dma_start3A_23, %dma_start3A_24] : memref<2x64x192xf32, #tpu.memory_space<vmem>> -> memref<1x64x192xf32, #tpu.memory_space<vmem>>
    %dma_start3A_26 = tpu.memref_squeeze %dma_start3A_25 : memref<1x64x192xf32, #tpu.memory_space<vmem>> -> memref<64x192xf32, #tpu.memory_space<vmem>>
    %dma_start3A_27 = arith.constant 0 : i32
    %dma_start3A_28 = arith.constant 0 : i32
    %dma_start3A_29 = tpu.memref_slice %arg2[%dma_start3A_27, %dma_start3A_28] : memref<128x192xf32, #tpu.memory_space<hbm>> -> memref<128x192xf32, #tpu.memory_space<hbm>>
    tpu.enqueue_indirect_dma source(%dma_start3A_29 : memref<128x192xf32, #tpu.memory_space<hbm>>) target(%dma_start3A_26 : memref<64x192xf32, #tpu.memory_space<vmem>>) offsets(%arg7 : memref<64xi32, #tpu.memory_space<vmem>>) semaphore(%arg8 : memref<!tpu.dma_semaphore, #tpu.memory_space<semaphore_mem>>)
    %dma_wait3A = arith.constant 0 : i32
    %dma_wait3A_30 = arith.constant 0 : i32
    %dma_wait3A_31 = arith.constant 0 : i32
    %dma_wait3A_32 = tpu.memref_slice %arg6[%dma_wait3A, %dma_wait3A_30, %dma_wait3A_31] : memref<2x64x192xf32, #tpu.memory_space<vmem>> -> memref<1x64x192xf32, #tpu.memory_space<vmem>>
    %dma_wait3A_33 = tpu.memref_squeeze %dma_wait3A_32 : memref<1x64x192xf32, #tpu.memory_space<vmem>> -> memref<64x192xf32, #tpu.memory_space<vmem>>
    %dma_wait3A_34 = arith.constant 0 : i32
    %dma_wait3A_35 = arith.constant 0 : i32
    %dma_wait3A_36 = tpu.memref_slice %arg2[%dma_wait3A_34, %dma_wait3A_35] : memref<128x192xf32, #tpu.memory_space<hbm>> -> memref<128x192xf32, #tpu.memory_space<hbm>>
    tpu.wait_indirect_dma semaphore(%arg8 : memref<!tpu.dma_semaphore, #tpu.memory_space<semaphore_mem>>) src(%dma_wait3A_36 : memref<128x192xf32, #tpu.memory_space<hbm>>) dst(%dma_wait3A_33 : memref<64x192xf32, #tpu.memory_space<vmem>>)
    %mul3A_37 = arith.constant 2 : i32
    %mul3A_38 = arith.muli %add3A, %mul3A_37 : i32
    %add3A_39 = arith.constant 1 : i32
    %add3A_40 = arith.addi %mul3A_38, %add3A_39 : i32
    %broadcast_in_dim3A_41 = vector.broadcast %add3A_40 : i32 to vector<16xi32>
    %swap3A_42 = arith.constant 0 : index
    %swap3A_43 = tpu.vector_load %arg7[%swap3A_42] {strides = array<i32>} : memref<64xi32, #tpu.memory_space<vmem>>, vector<16xi32>,
    %swap3A_44 = vector.shape_cast %swap3A_43 : vector<16xi32> to vector<16xi32>
    %swap3A_45 = vector.shape_cast %broadcast_in_dim3A_41 : vector<16xi32> to vector<16xi32>
    tpu.vector_store %arg7[%swap3A_42], %swap3A_45 {strides = array<i32>} : memref<64xi32, #tpu.memory_space<vmem>>, vector<16xi32>,
    %broadcast_in_dim3A_46 = vector.broadcast %add3A_40 : i32 to vector<16xi32>
    %swap3A_47 = arith.constant 16 : index
    %swap3A_48 = tpu.vector_load %arg7[%swap3A_47] {strides = array<i32>} : memref<64xi32, #tpu.memory_space<vmem>>, vector<16xi32>,
    %swap3A_49 = vector.shape_cast %swap3A_48 : vector<16xi32> to vector<16xi32>
    %swap3A_50 = vector.shape_cast %broadcast_in_dim3A_46 : vector<16xi32> to vector<16xi32>
    tpu.vector_store %arg7[%swap3A_47], %swap3A_50 {strides = array<i32>} : memref<64xi32, #tpu.memory_space<vmem>>, vector<16xi32>,
    %broadcast_in_dim3A_51 = vector.broadcast %add3A_40 : i32 to vector<16xi32>
    %swap3A_52 = arith.constant 32 : index
    %swap3A_53 = tpu.vector_load %arg7[%swap3A_52] {strides = array<i32>} : memref<64xi32, #tpu.memory_space<vmem>>, vector<16xi32>,
    %swap3A_54 = vector.shape_cast %swap3A_53 : vector<16xi32> to vector<16xi32>
    %swap3A_55 = vector.shape_cast %broadcast_in_dim3A_51 : vector<16xi32> to vector<16xi32>
    tpu.vector_store %arg7[%swap3A_52], %swap3A_55 {strides = array<i32>} : memref<64xi32, #tpu.memory_space<vmem>>, vector<16xi32>,
    %broadcast_in_dim3A_56 = vector.broadcast %add3A_40 : i32 to vector<16xi32>
    %swap3A_57 = arith.constant 48 : index
    %swap3A_58 = tpu.vector_load %arg7[%swap3A_57] {strides = array<i32>} : memref<64xi32, #tpu.memory_space<vmem>>, vector<16xi32>,
    %swap3A_59 = vector.shape_cast %swap3A_58 : vector<16xi32> to vector<16xi32>
    %swap3A_60 = vector.shape_cast %broadcast_in_dim3A_56 : vector<16xi32> to vector<16xi32>
    tpu.vector_store %arg7[%swap3A_57], %swap3A_60 {strides = array<i32>} : memref<64xi32, #tpu.memory_space<vmem>>, vector<16xi32>,
    %dma_start3A_61 = arith.constant 1 : i32
    %dma_start3A_62 = arith.constant 0 : i32
    %dma_start3A_63 = arith.constant 0 : i32
    %dma_start3A_64 = tpu.memref_slice %arg6[%dma_start3A_61, %dma_start3A_62, %dma_start3A_63] : memref<2x64x192xf32, #tpu.memory_space<vmem>> -> memref<1x64x192xf32, #tpu.memory_space<vmem>>
    %dma_start3A_65 = tpu.memref_squeeze %dma_start3A_64 : memref<1x64x192xf32, #tpu.memory_space<vmem>> -> memref<64x192xf32, #tpu.memory_space<vmem>>
    %dma_start3A_66 = arith.constant 0 : i32
    %dma_start3A_67 = arith.constant 0 : i32
    %dma_start3A_68 = tpu.memref_slice %arg2[%dma_start3A_66, %dma_start3A_67] : memref<128x192xf32, #tpu.memory_space<hbm>> -> memref<128x192xf32, #tpu.memory_space<hbm>>
    tpu.enqueue_indirect_dma source(%dma_start3A_68 : memref<128x192xf32, #tpu.memory_space<hbm>>) target(%dma_start3A_65 : memref<64x192xf32, #tpu.memory_space<vmem>>) offsets(%arg7 : memref<64xi32, #tpu.memory_space<vmem>>) semaphore(%arg8 : memref<!tpu.dma_semaphore, #tpu.memory_space<semaphore_mem>>)
    %dma_wait3A_69 = arith.constant 1 : i32
    %dma_wait3A_70 = arith.constant 0 : i32
    %dma_wait3A_71 = arith.constant 0 : i32
    %dma_wait3A_72 = tpu.memref_slice %arg6[%dma_wait3A_69, %dma_wait3A_70, %dma_wait3A_71] : memref<2x64x192xf32, #tpu.memory_space<vmem>> -> memref<1x64x192xf32, #tpu.memory_space<vmem>>
    %dma_wait3A_73 = tpu.memref_squeeze %dma_wait3A_72 : memref<1x64x192xf32, #tpu.memory_space<vmem>> -> memref<64x192xf32, #tpu.memory_space<vmem>>
    %dma_wait3A_74 = arith.constant 0 : i32
    %dma_wait3A_75 = arith.constant 0 : i32
    %dma_wait3A_76 = tpu.memref_slice %arg2[%dma_wait3A_74, %dma_wait3A_75] : memref<128x192xf32, #tpu.memory_space<hbm>> -> memref<128x192xf32, #tpu.memory_space<hbm>>
    tpu.wait_indirect_dma semaphore(%arg8 : memref<!tpu.dma_semaphore, #tpu.memory_space<semaphore_mem>>) src(%dma_wait3A_76 : memref<128x192xf32, #tpu.memory_space<hbm>>) dst(%dma_wait3A_73 : memref<64x192xf32, #tpu.memory_space<vmem>>)
    %mul3A_77 = arith.constant 2 : i32
    %mul3A_78 = arith.muli %add3A, %mul3A_77 : i32
    %add3A_79 = arith.constant 0 : i32
    %add3A_80 = arith.addi %mul3A_78, %add3A_79 : i32
    %dma_start3A_81 = arith.constant 0 : i32
    %dma_start3A_82 = arith.constant 0 : i32
    %dma_start3A_83 = arith.constant 0 : i32
    %dma_start3A_84 = tpu.memref_slice %arg4[%dma_start3A_81, %add3A_80, %dma_start3A_82, %dma_start3A_83] : memref<8x64x64x384xf32, #tpu.memory_space<hbm>> -> memref<1x1x64x192xf32, #tpu.memory_space<hbm>>
    %dma_start3A_85 = tpu.memref_squeeze %dma_start3A_84 : memref<1x1x64x192xf32, #tpu.memory_space<hbm>> -> memref<64x192xf32, #tpu.memory_space<hbm>>
    %dma_start3A_86 = arith.constant 0 : i32
    %dma_start3A_87 = arith.constant 0 : i32
    %dma_start3A_88 = tpu.memref_slice %arg4[%dma_start3A_81, %add3A_80, %dma_start3A_86, %dma_start3A_87] : memref<8x64x64x384xf32, #tpu.memory_space<hbm>> -> memref<1x1x64x192xf32, #tpu.memory_space<hbm>>
    %dma_start3A_89 = tpu.memref_squeeze %dma_start3A_88 : memref<1x1x64x192xf32, #tpu.memory_space<hbm>> -> memref<64x192xf32, #tpu.memory_space<hbm>>
    tpu.enqueue_dma source(%arg5 : memref<64x192xf32, #tpu.memory_space<vmem>>) target(%dma_start3A_89 : memref<64x192xf32, #tpu.memory_space<hbm>>) target_semaphore(%arg8 : memref<!tpu.dma_semaphore, #tpu.memory_space<semaphore_mem>>)
    %dma_start3A_90 = arith.constant 0 : i32
    %dma_start3A_91 = arith.constant 0 : i32
    %dma_start3A_92 = arith.constant 0 : i32
    %dma_start3A_93 = arith.constant 0 : i32
    %dma_start3A_94 = tpu.memref_slice %arg6[%dma_start3A_90, %dma_start3A_92, %dma_start3A_93] : memref<2x64x192xf32, #tpu.memory_space<vmem>> -> memref<1x64x192xf32, #tpu.memory_space<vmem>>
    %dma_start3A_95 = tpu.memref_squeeze %dma_start3A_94 : memref<1x64x192xf32, #tpu.memory_space<vmem>> -> memref<64x192xf32, #tpu.memory_space<vmem>>
    %dma_start3A_96 = arith.constant 0 : i32
    %dma_start3A_97 = arith.constant 192 : i32
    %dma_start3A_98 = tpu.memref_slice %arg4[%dma_start3A_91, %add3A_80, %dma_start3A_96, %dma_start3A_97] : memref<8x64x64x384xf32, #tpu.memory_space<hbm>> -> memref<1x1x64x192xf32, #tpu.memory_space<hbm>>
    %dma_start3A_99 = tpu.memref_squeeze %dma_start3A_98 : memref<1x1x64x192xf32, #tpu.memory_space<hbm>> -> memref<64x192xf32, #tpu.memory_space<hbm>>
    %dma_start3A_100 = arith.constant 0 : i32
    %dma_start3A_101 = arith.constant 192 : i32
    %dma_start3A_102 = tpu.memref_slice %arg4[%dma_start3A_91, %add3A_80, %dma_start3A_100, %dma_start3A_101] : memref<8x64x64x384xf32, #tpu.memory_space<hbm>> -> memref<1x1x64x192xf32, #tpu.memory_space<hbm>>
    %dma_start3A_103 = tpu.memref_squeeze %dma_start3A_102 : memref<1x1x64x192xf32, #tpu.memory_space<hbm>> -> memref<64x192xf32, #tpu.memory_space<hbm>>
    %dma_start3A_104 = arith.constant 0 : i32
    %dma_start3A_105 = arith.constant 0 : i32
    %dma_start3A_106 = tpu.memref_slice %arg6[%dma_start3A_90, %dma_start3A_104, %dma_start3A_105] : memref<2x64x192xf32, #tpu.memory_space<vmem>> -> memref<1x64x192xf32, #tpu.memory_space<vmem>>
    %dma_start3A_107 = tpu.memref_squeeze %dma_start3A_106 : memref<1x64x192xf32, #tpu.memory_space<vmem>> -> memref<64x192xf32, #tpu.memory_space<vmem>>
    tpu.enqueue_dma source(%dma_start3A_107 : memref<64x192xf32, #tpu.memory_space<vmem>>) target(%dma_start3A_103 : memref<64x192xf32, #tpu.memory_space<hbm>>) target_semaphore(%arg8 : memref<!tpu.dma_semaphore, #tpu.memory_space<semaphore_mem>>)
    %dma_start3A_108 = arith.constant 1 : i32
    %dma_start3A_109 = arith.constant 0 : i32
    %dma_start3A_110 = arith.constant 0 : i32
    %dma_start3A_111 = tpu.memref_slice %arg4[%dma_start3A_108, %add3A_80, %dma_start3A_109, %dma_start3A_110] : memref<8x64x64x384xf32, #tpu.memory_space<hbm>> -> memref<1x1x64x192xf32, #tpu.memory_space<hbm>>
    %dma_start3A_112 = tpu.memref_squeeze %dma_start3A_111 : memref<1x1x64x192xf32, #tpu.memory_space<hbm>> -> memref<64x192xf32, #tpu.memory_space<hbm>>
    %dma_start3A_113 = arith.constant 0 : i32
    %dma_start3A_114 = arith.constant 0 : i32
    %dma_start3A_115 = tpu.memref_slice %arg4[%dma_start3A_108, %add3A_80, %dma_start3A_113, %dma_start3A_114] : memref<8x64x64x384xf32, #tpu.memory_space<hbm>> -> memref<1x1x64x192xf32, #tpu.memory_space<hbm>>
    %dma_start3A_116 = tpu.memref_squeeze %dma_start3A_115 : memref<1x1x64x192xf32, #tpu.memory_space<hbm>> -> memref<64x192xf32, #tpu.memory_space<hbm>>
    tpu.enqueue_dma source(%arg5 : memref<64x192xf32, #tpu.memory_space<vmem>>) target(%dma_start3A_116 : memref<64x192xf32, #tpu.memory_space<hbm>>) target_semaphore(%arg8 : memref<!tpu.dma_semaphore, #tpu.memory_space<semaphore_mem>>)
    %dma_start3A_117 = arith.constant 0 : i32
    %dma_start3A_118 = arith.constant 1 : i32
    %dma_start3A_119 = arith.constant 0 : i32
    %dma_start3A_120 = arith.constant 0 : i32
    %dma_start3A_121 = tpu.memref_slice %arg6[%dma_start3A_117, %dma_start3A_119, %dma_start3A_120] : memref<2x64x192xf32, #tpu.memory_space<vmem>> -> memref<1x64x192xf32, #tpu.memory_space<vmem>>
    %dma_start3A_122 = tpu.memref_squeeze %dma_start3A_121 : memref<1x64x192xf32, #tpu.memory_space<vmem>> -> memref<64x192xf32, #tpu.memory_space<vmem>>
    %dma_start3A_123 = arith.constant 0 : i32
    %dma_start3A_124 = arith.constant 192 : i32
    %dma_start3A_125 = tpu.memref_slice %arg4[%dma_start3A_118, %add3A_80, %dma_start3A_123, %dma_start3A_124] : memref<8x64x64x384xf32, #tpu.memory_space<hbm>> -> memref<1x1x64x192xf32, #tpu.memory_space<hbm>>
    %dma_start3A_126 = tpu.memref_squeeze %dma_start3A_125 : memref<1x1x64x192xf32, #tpu.memory_space<hbm>> -> memref<64x192xf32, #tpu.memory_space<hbm>>
    %dma_start3A_127 = arith.constant 0 : i32
    %dma_start3A_128 = arith.constant 192 : i32
    %dma_start3A_129 = tpu.memref_slice %arg4[%dma_start3A_118, %add3A_80, %dma_start3A_127, %dma_start3A_128] : memref<8x64x64x384xf32, #tpu.memory_space<hbm>> -> memref<1x1x64x192xf32, #tpu.memory_space<hbm>>
    %dma_start3A_130 = tpu.memref_squeeze %dma_start3A_129 : memref<1x1x64x192xf32, #tpu.memory_space<hbm>> -> memref<64x192xf32, #tpu.memory_space<hbm>>
    %dma_start3A_131 = arith.constant 0 : i32
    %dma_start3A_132 = arith.constant 0 : i32
    %dma_start3A_133 = tpu.memref_slice %arg6[%dma_start3A_117, %dma_start3A_131, %dma_start3A_132] : memref<2x64x192xf32, #tpu.memory_space<vmem>> -> memref<1x64x192xf32, #tpu.memory_space<vmem>>
    %dma_start3A_134 = tpu.memref_squeeze %dma_start3A_133 : memref<1x64x192xf32, #tpu.memory_space<vmem>> -> memref<64x192xf32, #tpu.memory_space<vmem>>
    tpu.enqueue_dma source(%dma_start3A_134 : memref<64x192xf32, #tpu.memory_space<vmem>>) target(%dma_start3A_130 : memref<64x192xf32, #tpu.memory_space<hbm>>) target_semaphore(%arg8 : memref<!tpu.dma_semaphore, #tpu.memory_space<semaphore_mem>>)
    %dma_start3A_135 = arith.constant 2 : i32
    %dma_start3A_136 = arith.constant 0 : i32
    %dma_start3A_137 = arith.constant 0 : i32
    %dma_start3A_138 = tpu.memref_slice %arg4[%dma_start3A_135, %add3A_80, %dma_start3A_136, %dma_start3A_137] : memref<8x64x64x384xf32, #tpu.memory_space<hbm>> -> memref<1x1x64x192xf32, #tpu.memory_space<hbm>>
    %dma_start3A_139 = tpu.memref_squeeze %dma_start3A_138 : memref<1x1x64x192xf32, #tpu.memory_space<hbm>> -> memref<64x192xf32, #tpu.memory_space<hbm>>
    %dma_start3A_140 = arith.constant 0 : i32
    %dma_start3A_141 = arith.constant 0 : i32
    %dma_start3A_142 = tpu.memref_slice %arg4[%dma_start3A_135, %add3A_80, %dma_start3A_140, %dma_start3A_141] : memref<8x64x64x384xf32, #tpu.memory_space<hbm>> -> memref<1x1x64x192xf32, #tpu.memory_space<hbm>>
    %dma_start3A_143 = tpu.memref_squeeze %dma_start3A_142 : memref<1x1x64x192xf32, #tpu.memory_space<hbm>> -> memref<64x192xf32, #tpu.memory_space<hbm>>
    tpu.enqueue_dma source(%arg5 : memref<64x192xf32, #tpu.memory_space<vmem>>) target(%dma_start3A_143 : memref<64x192xf32, #tpu.memory_space<hbm>>) target_semaphore(%arg8 : memref<!tpu.dma_semaphore, #tpu.memory_space<semaphore_mem>>)
    %dma_start3A_144 = arith.constant 0 : i32
    %dma_start3A_145 = arith.constant 2 : i32
    %dma_start3A_146 = arith.constant 0 : i32
    %dma_start3A_147 = arith.constant 0 : i32
    %dma_start3A_148 = tpu.memref_slice %arg6[%dma_start3A_144, %dma_start3A_146, %dma_start3A_147] : memref<2x64x192xf32, #tpu.memory_space<vmem>> -> memref<1x64x192xf32, #tpu.memory_space<vmem>>
    %dma_start3A_149 = tpu.memref_squeeze %dma_start3A_148 : memref<1x64x192xf32, #tpu.memory_space<vmem>> -> memref<64x192xf32, #tpu.memory_space<vmem>>
    %dma_start3A_150 = arith.constant 0 : i32
    %dma_start3A_151 = arith.constant 192 : i32
    %dma_start3A_152 = tpu.memref_slice %arg4[%dma_start3A_145, %add3A_80, %dma_start3A_150, %dma_start3A_151] : memref<8x64x64x384xf32, #tpu.memory_space<hbm>> -> memref<1x1x64x192xf32, #tpu.memory_space<hbm>>
    %dma_start3A_153 = tpu.memref_squeeze %dma_start3A_152 : memref<1x1x64x192xf32, #tpu.memory_space<hbm>> -> memref<64x192xf32, #tpu.memory_space<hbm>>
    %dma_start3A_154 = arith.constant 0 : i32
    %dma_start3A_155 = arith.constant 192 : i32
    %dma_start3A_156 = tpu.memref_slice %arg4[%dma_start3A_145, %add3A_80, %dma_start3A_154, %dma_start3A_155] : memref<8x64x64x384xf32, #tpu.memory_space<hbm>> -> memref<1x1x64x192xf32, #tpu.memory_space<hbm>>
    %dma_start3A_157 = tpu.memref_squeeze %dma_start3A_156 : memref<1x1x64x192xf32, #tpu.memory_space<hbm>> -> memref<64x192xf32, #tpu.memory_space<hbm>>
    %dma_start3A_158 = arith.constant 0 : i32
    %dma_start3A_159 = arith.constant 0 : i32
    %dma_start3A_160 = tpu.memref_slice %arg6[%dma_start3A_144, %dma_start3A_158, %dma_start3A_159] : memref<2x64x192xf32, #tpu.memory_space<vmem>> -> memref<1x64x192xf32, #tpu.memory_space<vmem>>
    %dma_start3A_161 = tpu.memref_squeeze %dma_start3A_160 : memref<1x64x192xf32, #tpu.memory_space<vmem>> -> memref<64x192xf32, #tpu.memory_space<vmem>>
    tpu.enqueue_dma source(%dma_start3A_161 : memref<64x192xf32, #tpu.memory_space<vmem>>) target(%dma_start3A_157 : memref<64x192xf32, #tpu.memory_space<hbm>>) target_semaphore(%arg8 : memref<!tpu.dma_semaphore, #tpu.memory_space<semaphore_mem>>)
    %dma_start3A_162 = arith.constant 3 : i32
    %dma_start3A_163 = arith.constant 0 : i32
    %dma_start3A_164 = arith.constant 0 : i32
    %dma_start3A_165 = tpu.memref_slice %arg4[%dma_start3A_162, %add3A_80, %dma_start3A_163, %dma_start3A_164] : memref<8x64x64x384xf32, #tpu.memory_space<hbm>> -> memref<1x1x64x192xf32, #tpu.memory_space<hbm>>
    %dma_start3A_166 = tpu.memref_squeeze %dma_start3A_165 : memref<1x1x64x192xf32, #tpu.memory_space<hbm>> -> memref<64x192xf32, #tpu.memory_space<hbm>>
    %dma_start3A_167 = arith.constant 0 : i32
    %dma_start3A_168 = arith.constant 0 : i32
    %dma_start3A_169 = tpu.memref_slice %arg4[%dma_start3A_162, %add3A_80, %dma_start3A_167, %dma_start3A_168] : memref<8x64x64x384xf32, #tpu.memory_space<hbm>> -> memref<1x1x64x192xf32, #tpu.memory_space<hbm>>
    %dma_start3A_170 = tpu.memref_squeeze %dma_start3A_169 : memref<1x1x64x192xf32, #tpu.memory_space<hbm>> -> memref<64x192xf32, #tpu.memory_space<hbm>>
    tpu.enqueue_dma source(%arg5 : memref<64x192xf32, #tpu.memory_space<vmem>>) target(%dma_start3A_170 : memref<64x192xf32, #tpu.memory_space<hbm>>) target_semaphore(%arg8 : memref<!tpu.dma_semaphore, #tpu.memory_space<semaphore_mem>>)
    %dma_start3A_171 = arith.constant 0 : i32
    %dma_start3A_172 = arith.constant 3 : i32
    %dma_start3A_173 = arith.constant 0 : i32
    %dma_start3A_174 = arith.constant 0 : i32
    %dma_start3A_175 = tpu.memref_slice %arg6[%dma_start3A_171, %dma_start3A_173, %dma_start3A_174] : memref<2x64x192xf32, #tpu.memory_space<vmem>> -> memref<1x64x192xf32, #tpu.memory_space<vmem>>
    %dma_start3A_176 = tpu.memref_squeeze %dma_start3A_175 : memref<1x64x192xf32, #tpu.memory_space<vmem>> -> memref<64x192xf32, #tpu.memory_space<vmem>>
    %dma_start3A_177 = arith.constant 0 : i32
    %dma_start3A_178 = arith.constant 192 : i32
    %dma_start3A_179 = tpu.memref_slice %arg4[%dma_start3A_172, %add3A_80, %dma_start3A_177, %dma_start3A_178] : memref<8x64x64x384xf32, #tpu.memory_space<hbm>> -> memref<1x1x64x192xf32, #tpu.memory_space<hbm>>
    %dma_start3A_180 = tpu.memref_squeeze %dma_start3A_179 : memref<1x1x64x192xf32, #tpu.memory_space<hbm>> -> memref<64x192xf32, #tpu.memory_space<hbm>>
    %dma_start3A_181 = arith.constant 0 : i32
    %dma_start3A_182 = arith.constant 192 : i32
    %dma_start3A_183 = tpu.memref_slice %arg4[%dma_start3A_172, %add3A_80, %dma_start3A_181, %dma_start3A_182] : memref<8x64x64x384xf32, #tpu.memory_space<hbm>> -> memref<1x1x64x192xf32, #tpu.memory_space<hbm>>
    %dma_start3A_184 = tpu.memref_squeeze %dma_start3A_183 : memref<1x1x64x192xf32, #tpu.memory_space<hbm>> -> memref<64x192xf32, #tpu.memory_space<hbm>>
    %dma_start3A_185 = arith.constant 0 : i32
    %dma_start3A_186 = arith.constant 0 : i32
    %dma_start3A_187 = tpu.memref_slice %arg6[%dma_start3A_171, %dma_start3A_185, %dma_start3A_186] : memref<2x64x192xf32, #tpu.memory_space<vmem>> -> memref<1x64x192xf32, #tpu.memory_space<vmem>>
    %dma_start3A_188 = tpu.memref_squeeze %dma_start3A_187 : memref<1x64x192xf32, #tpu.memory_space<vmem>> -> memref<64x192xf32, #tpu.memory_space<vmem>>
    tpu.enqueue_dma source(%dma_start3A_188 : memref<64x192xf32, #tpu.memory_space<vmem>>) target(%dma_start3A_184 : memref<64x192xf32, #tpu.memory_space<hbm>>) target_semaphore(%arg8 : memref<!tpu.dma_semaphore, #tpu.memory_space<semaphore_mem>>)
    %dma_start3A_189 = arith.constant 4 : i32
    %dma_start3A_190 = arith.constant 0 : i32
    %dma_start3A_191 = arith.constant 0 : i32
    %dma_start3A_192 = tpu.memref_slice %arg4[%dma_start3A_189, %add3A_80, %dma_start3A_190, %dma_start3A_191] : memref<8x64x64x384xf32, #tpu.memory_space<hbm>> -> memref<1x1x64x192xf32, #tpu.memory_space<hbm>>
    %dma_start3A_193 = tpu.memref_squeeze %dma_start3A_192 : memref<1x1x64x192xf32, #tpu.memory_space<hbm>> -> memref<64x192xf32, #tpu.memory_space<hbm>>
    %dma_start3A_194 = arith.constant 0 : i32
    %dma_start3A_195 = arith.constant 0 : i32
    %dma_start3A_196 = tpu.memref_slice %arg4[%dma_start3A_189, %add3A_80, %dma_start3A_194, %dma_start3A_195] : memref<8x64x64x384xf32, #tpu.memory_space<hbm>> -> memref<1x1x64x192xf32, #tpu.memory_space<hbm>>
    %dma_start3A_197 = tpu.memref_squeeze %dma_start3A_196 : memref<1x1x64x192xf32, #tpu.memory_space<hbm>> -> memref<64x192xf32, #tpu.memory_space<hbm>>
    tpu.enqueue_dma source(%arg5 : memref<64x192xf32, #tpu.memory_space<vmem>>) target(%dma_start3A_197 : memref<64x192xf32, #tpu.memory_space<hbm>>) target_semaphore(%arg8 : memref<!tpu.dma_semaphore, #tpu.memory_space<semaphore_mem>>)
    %dma_start3A_198 = arith.constant 0 : i32
    %dma_start3A_199 = arith.constant 4 : i32
    %dma_start3A_200 = arith.constant 0 : i32
    %dma_start3A_201 = arith.constant 0 : i32
    %dma_start3A_202 = tpu.memref_slice %arg6[%dma_start3A_198, %dma_start3A_200, %dma_start3A_201] : memref<2x64x192xf32, #tpu.memory_space<vmem>> -> memref<1x64x192xf32, #tpu.memory_space<vmem>>
    %dma_start3A_203 = tpu.memref_squeeze %dma_start3A_202 : memref<1x64x192xf32, #tpu.memory_space<vmem>> -> memref<64x192xf32, #tpu.memory_space<vmem>>
    %dma_start3A_204 = arith.constant 0 : i32
    %dma_start3A_205 = arith.constant 192 : i32
    %dma_start3A_206 = tpu.memref_slice %arg4[%dma_start3A_199, %add3A_80, %dma_start3A_204, %dma_start3A_205] : memref<8x64x64x384xf32, #tpu.memory_space<hbm>> -> memref<1x1x64x192xf32, #tpu.memory_space<hbm>>
    %dma_start3A_207 = tpu.memref_squeeze %dma_start3A_206 : memref<1x1x64x192xf32, #tpu.memory_space<hbm>> -> memref<64x192xf32, #tpu.memory_space<hbm>>
    %dma_start3A_208 = arith.constant 0 : i32
    %dma_start3A_209 = arith.constant 192 : i32
    %dma_start3A_210 = tpu.memref_slice %arg4[%dma_start3A_199, %add3A_80, %dma_start3A_208, %dma_start3A_209] : memref<8x64x64x384xf32, #tpu.memory_space<hbm>> -> memref<1x1x64x192xf32, #tpu.memory_space<hbm>>
    %dma_start3A_211 = tpu.memref_squeeze %dma_start3A_210 : memref<1x1x64x192xf32, #tpu.memory_space<hbm>> -> memref<64x192xf32, #tpu.memory_space<hbm>>
    %dma_start3A_212 = arith.constant 0 : i32
    %dma_start3A_213 = arith.constant 0 : i32
    %dma_start3A_214 = tpu.memref_slice %arg6[%dma_start3A_198, %dma_start3A_212, %dma_start3A_213] : memref<2x64x192xf32, #tpu.memory_space<vmem>> -> memref<1x64x192xf32, #tpu.memory_space<vmem>>
    %dma_start3A_215 = tpu.memref_squeeze %dma_start3A_214 : memref<1x64x192xf32, #tpu.memory_space<vmem>> -> memref<64x192xf32, #tpu.memory_space<vmem>>
    tpu.enqueue_dma source(%dma_start3A_215 : memref<64x192xf32, #tpu.memory_space<vmem>>) target(%dma_start3A_211 : memref<64x192xf32, #tpu.memory_space<hbm>>) target_semaphore(%arg8 : memref<!tpu.dma_semaphore, #tpu.memory_space<semaphore_mem>>)
    %dma_start3A_216 = arith.constant 5 : i32
    %dma_start3A_217 = arith.constant 0 : i32
    %dma_start3A_218 = arith.constant 0 : i32
    %dma_start3A_219 = tpu.memref_slice %arg4[%dma_start3A_216, %add3A_80, %dma_start3A_217, %dma_start3A_218] : memref<8x64x64x384xf32, #tpu.memory_space<hbm>> -> memref<1x1x64x192xf32, #tpu.memory_space<hbm>>
    %dma_start3A_220 = tpu.memref_squeeze %dma_start3A_219 : memref<1x1x64x192xf32, #tpu.memory_space<hbm>> -> memref<64x192xf32, #tpu.memory_space<hbm>>
    %dma_start3A_221 = arith.constant 0 : i32
    %dma_start3A_222 = arith.constant 0 : i32
    %dma_start3A_223 = tpu.memref_slice %arg4[%dma_start3A_216, %add3A_80, %dma_start3A_221, %dma_start3A_222] : memref<8x64x64x384xf32, #tpu.memory_space<hbm>> -> memref<1x1x64x192xf32, #tpu.memory_space<hbm>>
    %dma_start3A_224 = tpu.memref_squeeze %dma_start3A_223 : memref<1x1x64x192xf32, #tpu.memory_space<hbm>> -> memref<64x192xf32, #tpu.memory_space<hbm>>
    tpu.enqueue_dma source(%arg5 : memref<64x192xf32, #tpu.memory_space<vmem>>) target(%dma_start3A_224 : memref<64x192xf32, #tpu.memory_space<hbm>>) target_semaphore(%arg8 : memref<!tpu.dma_semaphore, #tpu.memory_space<semaphore_mem>>)
    %dma_start3A_225 = arith.constant 0 : i32
    %dma_start3A_226 = arith.constant 5 : i32
    %dma_start3A_227 = arith.constant 0 : i32
    %dma_start3A_228 = arith.constant 0 : i32
    %dma_start3A_229 = tpu.memref_slice %arg6[%dma_start3A_225, %dma_start3A_227, %dma_start3A_228] : memref<2x64x192xf32, #tpu.memory_space<vmem>> -> memref<1x64x192xf32, #tpu.memory_space<vmem>>
    %dma_start3A_230 = tpu.memref_squeeze %dma_start3A_229 : memref<1x64x192xf32, #tpu.memory_space<vmem>> -> memref<64x192xf32, #tpu.memory_space<vmem>>
    %dma_start3A_231 = arith.constant 0 : i32
    %dma_start3A_232 = arith.constant 192 : i32
    %dma_start3A_233 = tpu.memref_slice %arg4[%dma_start3A_226, %add3A_80, %dma_start3A_231, %dma_start3A_232] : memref<8x64x64x384xf32, #tpu.memory_space<hbm>> -> memref<1x1x64x192xf32, #tpu.memory_space<hbm>>
    %dma_start3A_234 = tpu.memref_squeeze %dma_start3A_233 : memref<1x1x64x192xf32, #tpu.memory_space<hbm>> -> memref<64x192xf32, #tpu.memory_space<hbm>>
    %dma_start3A_235 = arith.constant 0 : i32
    %dma_start3A_236 = arith.constant 192 : i32
    %dma_start3A_237 = tpu.memref_slice %arg4[%dma_start3A_226, %add3A_80, %dma_start3A_235, %dma_start3A_236] : memref<8x64x64x384xf32, #tpu.memory_space<hbm>> -> memref<1x1x64x192xf32, #tpu.memory_space<hbm>>
    %dma_start3A_238 = tpu.memref_squeeze %dma_start3A_237 : memref<1x1x64x192xf32, #tpu.memory_space<hbm>> -> memref<64x192xf32, #tpu.memory_space<hbm>>
    %dma_start3A_239 = arith.constant 0 : i32
    %dma_start3A_240 = arith.constant 0 : i32
    %dma_start3A_241 = tpu.memref_slice %arg6[%dma_start3A_225, %dma_start3A_239, %dma_start3A_240] : memref<2x64x192xf32, #tpu.memory_space<vmem>> -> memref<1x64x192xf32, #tpu.memory_space<vmem>>
    %dma_start3A_242 = tpu.memref_squeeze %dma_start3A_241 : memref<1x64x192xf32, #tpu.memory_space<vmem>> -> memref<64x192xf32, #tpu.memory_space<vmem>>
    tpu.enqueue_dma source(%dma_start3A_242 : memref<64x192xf32, #tpu.memory_space<vmem>>) target(%dma_start3A_238 : memref<64x192xf32, #tpu.memory_space<hbm>>) target_semaphore(%arg8 : memref<!tpu.dma_semaphore, #tpu.memory_space<semaphore_mem>>)
    %dma_start3A_243 = arith.constant 6 : i32
    %dma_start3A_244 = arith.constant 0 : i32
    %dma_start3A_245 = arith.constant 0 : i32
    %dma_start3A_246 = tpu.memref_slice %arg4[%dma_start3A_243, %add3A_80, %dma_start3A_244, %dma_start3A_245] : memref<8x64x64x384xf32, #tpu.memory_space<hbm>> -> memref<1x1x64x192xf32, #tpu.memory_space<hbm>>
    %dma_start3A_247 = tpu.memref_squeeze %dma_start3A_246 : memref<1x1x64x192xf32, #tpu.memory_space<hbm>> -> memref<64x192xf32, #tpu.memory_space<hbm>>
    %dma_start3A_248 = arith.constant 0 : i32
    %dma_start3A_249 = arith.constant 0 : i32
    %dma_start3A_250 = tpu.memref_slice %arg4[%dma_start3A_243, %add3A_80, %dma_start3A_248, %dma_start3A_249] : memref<8x64x64x384xf32, #tpu.memory_space<hbm>> -> memref<1x1x64x192xf32, #tpu.memory_space<hbm>>
    %dma_start3A_251 = tpu.memref_squeeze %dma_start3A_250 : memref<1x1x64x192xf32, #tpu.memory_space<hbm>> -> memref<64x192xf32, #tpu.memory_space<hbm>>
    tpu.enqueue_dma source(%arg5 : memref<64x192xf32, #tpu.memory_space<vmem>>) target(%dma_start3A_251 : memref<64x192xf32, #tpu.memory_space<hbm>>) target_semaphore(%arg8 : memref<!tpu.dma_semaphore, #tpu.memory_space<semaphore_mem>>)
    %dma_start3A_252 = arith.constant 0 : i32
    %dma_start3A_253 = arith.constant 6 : i32
    %dma_start3A_254 = arith.constant 0 : i32
    %dma_start3A_255 = arith.constant 0 : i32
    %dma_start3A_256 = tpu.memref_slice %arg6[%dma_start3A_252, %dma_start3A_254, %dma_start3A_255] : memref<2x64x192xf32, #tpu.memory_space<vmem>> -> memref<1x64x192xf32, #tpu.memory_space<vmem>>
    %dma_start3A_257 = tpu.memref_squeeze %dma_start3A_256 : memref<1x64x192xf32, #tpu.memory_space<vmem>> -> memref<64x192xf32, #tpu.memory_space<vmem>>
    %dma_start3A_258 = arith.constant 0 : i32
    %dma_start3A_259 = arith.constant 192 : i32
    %dma_start3A_260 = tpu.memref_slice %arg4[%dma_start3A_253, %add3A_80, %dma_start3A_258, %dma_start3A_259] : memref<8x64x64x384xf32, #tpu.memory_space<hbm>> -> memref<1x1x64x192xf32, #tpu.memory_space<hbm>>
    %dma_start3A_261 = tpu.memref_squeeze %dma_start3A_260 : memref<1x1x64x192xf32, #tpu.memory_space<hbm>> -> memref<64x192xf32, #tpu.memory_space<hbm>>
    %dma_start3A_262 = arith.constant 0 : i32
    %dma_start3A_263 = arith.constant 192 : i32
    %dma_start3A_264 = tpu.memref_slice %arg4[%dma_start3A_253, %add3A_80, %dma_start3A_262, %dma_start3A_263] : memref<8x64x64x384xf32, #tpu.memory_space<hbm>> -> memref<1x1x64x192xf32, #tpu.memory_space<hbm>>
    %dma_start3A_265 = tpu.memref_squeeze %dma_start3A_264 : memref<1x1x64x192xf32, #tpu.memory_space<hbm>> -> memref<64x192xf32, #tpu.memory_space<hbm>>
    %dma_start3A_266 = arith.constant 0 : i32
    %dma_start3A_267 = arith.constant 0 : i32
    %dma_start3A_268 = tpu.memref_slice %arg6[%dma_start3A_252, %dma_start3A_266, %dma_start3A_267] : memref<2x64x192xf32, #tpu.memory_space<vmem>> -> memref<1x64x192xf32, #tpu.memory_space<vmem>>
    %dma_start3A_269 = tpu.memref_squeeze %dma_start3A_268 : memref<1x64x192xf32, #tpu.memory_space<vmem>> -> memref<64x192xf32, #tpu.memory_space<vmem>>
    tpu.enqueue_dma source(%dma_start3A_269 : memref<64x192xf32, #tpu.memory_space<vmem>>) target(%dma_start3A_265 : memref<64x192xf32, #tpu.memory_space<hbm>>) target_semaphore(%arg8 : memref<!tpu.dma_semaphore, #tpu.memory_space<semaphore_mem>>)
    %dma_start3A_270 = arith.constant 7 : i32
    %dma_start3A_271 = arith.constant 0 : i32
    %dma_start3A_272 = arith.constant 0 : i32
    %dma_start3A_273 = tpu.memref_slice %arg4[%dma_start3A_270, %add3A_80, %dma_start3A_271, %dma_start3A_272] : memref<8x64x64x384xf32, #tpu.memory_space<hbm>> -> memref<1x1x64x192xf32, #tpu.memory_space<hbm>>
    %dma_start3A_274 = tpu.memref_squeeze %dma_start3A_273 : memref<1x1x64x192xf32, #tpu.memory_space<hbm>> -> memref<64x192xf32, #tpu.memory_space<hbm>>
    %dma_start3A_275 = arith.constant 0 : i32
    %dma_start3A_276 = arith.constant 0 : i32
    %dma_start3A_277 = tpu.memref_slice %arg4[%dma_start3A_270, %add3A_80, %dma_start3A_275, %dma_start3A_276] : memref<8x64x64x384xf32, #tpu.memory_space<hbm>> -> memref<1x1x64x192xf32, #tpu.memory_space<hbm>>
    %dma_start3A_278 = tpu.memref_squeeze %dma_start3A_277 : memref<1x1x64x192xf32, #tpu.memory_space<hbm>> -> memref<64x192xf32, #tpu.memory_space<hbm>>
    tpu.enqueue_dma source(%arg5 : memref<64x192xf32, #tpu.memory_space<vmem>>) target(%dma_start3A_278 : memref<64x192xf32, #tpu.memory_space<hbm>>) target_semaphore(%arg8 : memref<!tpu.dma_semaphore, #tpu.memory_space<semaphore_mem>>)
    %dma_start3A_279 = arith.constant 0 : i32
    %dma_start3A_280 = arith.constant 7 : i32
    %dma_start3A_281 = arith.constant 0 : i32
    %dma_start3A_282 = arith.constant 0 : i32
    %dma_start3A_283 = tpu.memref_slice %arg6[%dma_start3A_279, %dma_start3A_281, %dma_start3A_282] : memref<2x64x192xf32, #tpu.memory_space<vmem>> -> memref<1x64x192xf32, #tpu.memory_space<vmem>>
    %dma_start3A_284 = tpu.memref_squeeze %dma_start3A_283 : memref<1x64x192xf32, #tpu.memory_space<vmem>> -> memref<64x192xf32, #tpu.memory_space<vmem>>
    %dma_start3A_285 = arith.constant 0 : i32
    %dma_start3A_286 = arith.constant 192 : i32
    %dma_start3A_287 = tpu.memref_slice %arg4[%dma_start3A_280, %add3A_80, %dma_start3A_285, %dma_start3A_286] : memref<8x64x64x384xf32, #tpu.memory_space<hbm>> -> memref<1x1x64x192xf32, #tpu.memory_space<hbm>>
    %dma_start3A_288 = tpu.memref_squeeze %dma_start3A_287 : memref<1x1x64x192xf32, #tpu.memory_space<hbm>> -> memref<64x192xf32, #tpu.memory_space<hbm>>
    %dma_start3A_289 = arith.constant 0 : i32
    %dma_start3A_290 = arith.constant 192 : i32
    %dma_start3A_291 = tpu.memref_slice %arg4[%dma_start3A_280, %add3A_80, %dma_start3A_289, %dma_start3A_290] : memref<8x64x64x384xf32, #tpu.memory_space<hbm>> -> memref<1x1x64x192xf32, #tpu.memory_space<hbm>>
    %dma_start3A_292 = tpu.memref_squeeze %dma_start3A_291 : memref<1x1x64x192xf32, #tpu.memory_space<hbm>> -> memref<64x192xf32, #tpu.memory_space<hbm>>
    %dma_start3A_293 = arith.constant 0 : i32
    %dma_start3A_294 = arith.constant 0 : i32
    %dma_start3A_295 = tpu.memref_slice %arg6[%dma_start3A_279, %dma_start3A_293, %dma_start3A_294] : memref<2x64x192xf32, #tpu.memory_space<vmem>> -> memref<1x64x192xf32, #tpu.memory_space<vmem>>
    %dma_start3A_296 = tpu.memref_squeeze %dma_start3A_295 : memref<1x64x192xf32, #tpu.memory_space<vmem>> -> memref<64x192xf32, #tpu.memory_space<vmem>>
    tpu.enqueue_dma source(%dma_start3A_296 : memref<64x192xf32, #tpu.memory_space<vmem>>) target(%dma_start3A_292 : memref<64x192xf32, #tpu.memory_space<hbm>>) target_semaphore(%arg8 : memref<!tpu.dma_semaphore, #tpu.memory_space<semaphore_mem>>)
    %mul3A_297 = arith.constant 2 : i32
    %mul3A_298 = arith.muli %add3A, %mul3A_297 : i32
    %add3A_299 = arith.constant 1 : i32
    %add3A_300 = arith.addi %mul3A_298, %add3A_299 : i32
    %dma_start3A_301 = arith.constant 0 : i32
    %dma_start3A_302 = arith.constant 0 : i32
    %dma_start3A_303 = arith.constant 0 : i32
    %dma_start3A_304 = tpu.memref_slice %arg4[%dma_start3A_301, %add3A_300, %dma_start3A_302, %dma_start3A_303] : memref<8x64x64x384xf32, #tpu.memory_space<hbm>> -> memref<1x1x64x192xf32, #tpu.memory_space<hbm>>
    %dma_start3A_305 = tpu.memref_squeeze %dma_start3A_304 : memref<1x1x64x192xf32, #tpu.memory_space<hbm>> -> memref<64x192xf32, #tpu.memory_space<hbm>>
    %dma_start3A_306 = arith.constant 0 : i32
    %dma_start3A_307 = arith.constant 0 : i32
    %dma_start3A_308 = tpu.memref_slice %arg4[%dma_start3A_301, %add3A_300, %dma_start3A_306, %dma_start3A_307] : memref<8x64x64x384xf32, #tpu.memory_space<hbm>> -> memref<1x1x64x192xf32, #tpu.memory_space<hbm>>
    %dma_start3A_309 = tpu.memref_squeeze %dma_start3A_308 : memref<1x1x64x192xf32, #tpu.memory_space<hbm>> -> memref<64x192xf32, #tpu.memory_space<hbm>>
    tpu.enqueue_dma source(%arg5 : memref<64x192xf32, #tpu.memory_space<vmem>>) target(%dma_start3A_309 : memref<64x192xf32, #tpu.memory_space<hbm>>) target_semaphore(%arg8 : memref<!tpu.dma_semaphore, #tpu.memory_space<semaphore_mem>>)
    %dma_start3A_310 = arith.constant 1 : i32
    %dma_start3A_311 = arith.constant 0 : i32
    %dma_start3A_312 = arith.constant 0 : i32
    %dma_start3A_313 = arith.constant 0 : i32
    %dma_start3A_314 = tpu.memref_slice %arg6[%dma_start3A_310, %dma_start3A_312, %dma_start3A_313] : memref<2x64x192xf32, #tpu.memory_space<vmem>> -> memref<1x64x192xf32, #tpu.memory_space<vmem>>
    %dma_start3A_315 = tpu.memref_squeeze %dma_start3A_314 : memref<1x64x192xf32, #tpu.memory_space<vmem>> -> memref<64x192xf32, #tpu.memory_space<vmem>>
    %dma_start3A_316 = arith.constant 0 : i32
    %dma_start3A_317 = arith.constant 192 : i32
    %dma_start3A_318 = tpu.memref_slice %arg4[%dma_start3A_311, %add3A_300, %dma_start3A_316, %dma_start3A_317] : memref<8x64x64x384xf32, #tpu.memory_space<hbm>> -> memref<1x1x64x192xf32, #tpu.memory_space<hbm>>
    %dma_start3A_319 = tpu.memref_squeeze %dma_start3A_318 : memref<1x1x64x192xf32, #tpu.memory_space<hbm>> -> memref<64x192xf32, #tpu.memory_space<hbm>>
    %dma_start3A_320 = arith.constant 0 : i32
    %dma_start3A_321 = arith.constant 192 : i32
    %dma_start3A_322 = tpu.memref_slice %arg4[%dma_start3A_311, %add3A_300, %dma_start3A_320, %dma_start3A_321] : memref<8x64x64x384xf32, #tpu.memory_space<hbm>> -> memref<1x1x64x192xf32, #tpu.memory_space<hbm>>
    %dma_start3A_323 = tpu.memref_squeeze %dma_start3A_322 : memref<1x1x64x192xf32, #tpu.memory_space<hbm>> -> memref<64x192xf32, #tpu.memory_space<hbm>>
    %dma_start3A_324 = arith.constant 0 : i32
    %dma_start3A_325 = arith.constant 0 : i32
    %dma_start3A_326 = tpu.memref_slice %arg6[%dma_start3A_310, %dma_start3A_324, %dma_start3A_325] : memref<2x64x192xf32, #tpu.memory_space<vmem>> -> memref<1x64x192xf32, #tpu.memory_space<vmem>>
    %dma_start3A_327 = tpu.memref_squeeze %dma_start3A_326 : memref<1x64x192xf32, #tpu.memory_space<vmem>> -> memref<64x192xf32, #tpu.memory_space<vmem>>
    tpu.enqueue_dma source(%dma_start3A_327 : memref<64x192xf32, #tpu.memory_space<vmem>>) target(%dma_start3A_323 : memref<64x192xf32, #tpu.memory_space<hbm>>) target_semaphore(%arg8 : memref<!tpu.dma_semaphore, #tpu.memory_space<semaphore_mem>>)
    %dma_start3A_328 = arith.constant 1 : i32
    %dma_start3A_329 = arith.constant 0 : i32
    %dma_start3A_330 = arith.constant 0 : i32
    %dma_start3A_331 = tpu.memref_slice %arg4[%dma_start3A_328, %add3A_300, %dma_start3A_329, %dma_start3A_330] : memref<8x64x64x384xf32, #tpu.memory_space<hbm>> -> memref<1x1x64x192xf32, #tpu.memory_space<hbm>>
    %dma_start3A_332 = tpu.memref_squeeze %dma_start3A_331 : memref<1x1x64x192xf32, #tpu.memory_space<hbm>> -> memref<64x192xf32, #tpu.memory_space<hbm>>
    %dma_start3A_333 = arith.constant 0 : i32
    %dma_start3A_334 = arith.constant 0 : i32
    %dma_start3A_335 = tpu.memref_slice %arg4[%dma_start3A_328, %add3A_300, %dma_start3A_333, %dma_start3A_334] : memref<8x64x64x384xf32, #tpu.memory_space<hbm>> -> memref<1x1x64x192xf32, #tpu.memory_space<hbm>>
    %dma_start3A_336 = tpu.memref_squeeze %dma_start3A_335 : memref<1x1x64x192xf32, #tpu.memory_space<hbm>> -> memref<64x192xf32, #tpu.memory_space<hbm>>
    tpu.enqueue_dma source(%arg5 : memref<64x192xf32, #tpu.memory_space<vmem>>) target(%dma_start3A_336 : memref<64x192xf32, #tpu.memory_space<hbm>>) target_semaphore(%arg8 : memref<!tpu.dma_semaphore, #tpu.memory_space<semaphore_mem>>)
    %dma_start3A_337 = arith.constant 1 : i32
    %dma_start3A_338 = arith.constant 1 : i32
    %dma_start3A_339 = arith.constant 0 : i32
    %dma_start3A_340 = arith.constant 0 : i32
    %dma_start3A_341 = tpu.memref_slice %arg6[%dma_start3A_337, %dma_start3A_339, %dma_start3A_340] : memref<2x64x192xf32, #tpu.memory_space<vmem>> -> memref<1x64x192xf32, #tpu.memory_space<vmem>>
    %dma_start3A_342 = tpu.memref_squeeze %dma_start3A_341 : memref<1x64x192xf32, #tpu.memory_space<vmem>> -> memref<64x192xf32, #tpu.memory_space<vmem>>
    %dma_start3A_343 = arith.constant 0 : i32
    %dma_start3A_344 = arith.constant 192 : i32
    %dma_start3A_345 = tpu.memref_slice %arg4[%dma_start3A_338, %add3A_300, %dma_start3A_343, %dma_start3A_344] : memref<8x64x64x384xf32, #tpu.memory_space<hbm>> -> memref<1x1x64x192xf32, #tpu.memory_space<hbm>>
    %dma_start3A_346 = tpu.memref_squeeze %dma_start3A_345 : memref<1x1x64x192xf32, #tpu.memory_space<hbm>> -> memref<64x192xf32, #tpu.memory_space<hbm>>
    %dma_start3A_347 = arith.constant 0 : i32
    %dma_start3A_348 = arith.constant 192 : i32
    %dma_start3A_349 = tpu.memref_slice %arg4[%dma_start3A_338, %add3A_300, %dma_start3A_347, %dma_start3A_348] : memref<8x64x64x384xf32, #tpu.memory_space<hbm>> -> memref<1x1x64x192xf32, #tpu.memory_space<hbm>>
    %dma_start3A_350 = tpu.memref_squeeze %dma_start3A_349 : memref<1x1x64x192xf32, #tpu.memory_space<hbm>> -> memref<64x192xf32, #tpu.memory_space<hbm>>
    %dma_start3A_351 = arith.constant 0 : i32
    %dma_start3A_352 = arith.constant 0 : i32
    %dma_start3A_353 = tpu.memref_slice %arg6[%dma_start3A_337, %dma_start3A_351, %dma_start3A_352] : memref<2x64x192xf32, #tpu.memory_space<vmem>> -> memref<1x64x192xf32, #tpu.memory_space<vmem>>
    %dma_start3A_354 = tpu.memref_squeeze %dma_start3A_353 : memref<1x64x192xf32, #tpu.memory_space<vmem>> -> memref<64x192xf32, #tpu.memory_space<vmem>>
    tpu.enqueue_dma source(%dma_start3A_354 : memref<64x192xf32, #tpu.memory_space<vmem>>) target(%dma_start3A_350 : memref<64x192xf32, #tpu.memory_space<hbm>>) target_semaphore(%arg8 : memref<!tpu.dma_semaphore, #tpu.memory_space<semaphore_mem>>)
    %dma_start3A_355 = arith.constant 2 : i32
    %dma_start3A_356 = arith.constant 0 : i32
    %dma_start3A_357 = arith.constant 0 : i32
    %dma_start3A_358 = tpu.memref_slice %arg4[%dma_start3A_355, %add3A_300, %dma_start3A_356, %dma_start3A_357] : memref<8x64x64x384xf32, #tpu.memory_space<hbm>> -> memref<1x1x64x192xf32, #tpu.memory_space<hbm>>
    %dma_start3A_359 = tpu.memref_squeeze %dma_start3A_358 : memref<1x1x64x192xf32, #tpu.memory_space<hbm>> -> memref<64x192xf32, #tpu.memory_space<hbm>>
    %dma_start3A_360 = arith.constant 0 : i32
    %dma_start3A_361 = arith.constant 0 : i32
    %dma_start3A_362 = tpu.memref_slice %arg4[%dma_start3A_355, %add3A_300, %dma_start3A_360, %dma_start3A_361] : memref<8x64x64x384xf32, #tpu.memory_space<hbm>> -> memref<1x1x64x192xf32, #tpu.memory_space<hbm>>
    %dma_start3A_363 = tpu.memref_squeeze %dma_start3A_362 : memref<1x1x64x192xf32, #tpu.memory_space<hbm>> -> memref<64x192xf32, #tpu.memory_space<hbm>>
    tpu.enqueue_dma source(%arg5 : memref<64x192xf32, #tpu.memory_space<vmem>>) target(%dma_start3A_363 : memref<64x192xf32, #tpu.memory_space<hbm>>) target_semaphore(%arg8 : memref<!tpu.dma_semaphore, #tpu.memory_space<semaphore_mem>>)
    %dma_start3A_364 = arith.constant 1 : i32
    %dma_start3A_365 = arith.constant 2 : i32
    %dma_start3A_366 = arith.constant 0 : i32
    %dma_start3A_367 = arith.constant 0 : i32
    %dma_start3A_368 = tpu.memref_slice %arg6[%dma_start3A_364, %dma_start3A_366, %dma_start3A_367] : memref<2x64x192xf32, #tpu.memory_space<vmem>> -> memref<1x64x192xf32, #tpu.memory_space<vmem>>
    %dma_start3A_369 = tpu.memref_squeeze %dma_start3A_368 : memref<1x64x192xf32, #tpu.memory_space<vmem>> -> memref<64x192xf32, #tpu.memory_space<vmem>>
    %dma_start3A_370 = arith.constant 0 : i32
    %dma_start3A_371 = arith.constant 192 : i32
    %dma_start3A_372 = tpu.memref_slice %arg4[%dma_start3A_365, %add3A_300, %dma_start3A_370, %dma_start3A_371] : memref<8x64x64x384xf32, #tpu.memory_space<hbm>> -> memref<1x1x64x192xf32, #tpu.memory_space<hbm>>
    %dma_start3A_373 = tpu.memref_squeeze %dma_start3A_372 : memref<1x1x64x192xf32, #tpu.memory_space<hbm>> -> memref<64x192xf32, #tpu.memory_space<hbm>>
    %dma_start3A_374 = arith.constant 0 : i32
    %dma_start3A_375 = arith.constant 192 : i32
    %dma_start3A_376 = tpu.memref_slice %arg4[%dma_start3A_365, %add3A_300, %dma_start3A_374, %dma_start3A_375] : memref<8x64x64x384xf32, #tpu.memory_space<hbm>> -> memref<1x1x64x192xf32, #tpu.memory_space<hbm>>
    %dma_start3A_377 = tpu.memref_squeeze %dma_start3A_376 : memref<1x1x64x192xf32, #tpu.memory_space<hbm>> -> memref<64x192xf32, #tpu.memory_space<hbm>>
    %dma_start3A_378 = arith.constant 0 : i32
    %dma_start3A_379 = arith.constant 0 : i32
    %dma_start3A_380 = tpu.memref_slice %arg6[%dma_start3A_364, %dma_start3A_378, %dma_start3A_379] : memref<2x64x192xf32, #tpu.memory_space<vmem>> -> memref<1x64x192xf32, #tpu.memory_space<vmem>>
    %dma_start3A_381 = tpu.memref_squeeze %dma_start3A_380 : memref<1x64x192xf32, #tpu.memory_space<vmem>> -> memref<64x192xf32, #tpu.memory_space<vmem>>
    tpu.enqueue_dma source(%dma_start3A_381 : memref<64x192xf32, #tpu.memory_space<vmem>>) target(%dma_start3A_377 : memref<64x192xf32, #tpu.memory_space<hbm>>) target_semaphore(%arg8 : memref<!tpu.dma_semaphore, #tpu.memory_space<semaphore_mem>>)
    %dma_start3A_382 = arith.constant 3 : i32
    %dma_start3A_383 = arith.constant 0 : i32
    %dma_start3A_384 = arith.constant 0 : i32
    %dma_start3A_385 = tpu.memref_slice %arg4[%dma_start3A_382, %add3A_300, %dma_start3A_383, %dma_start3A_384] : memref<8x64x64x384xf32, #tpu.memory_space<hbm>> -> memref<1x1x64x192xf32, #tpu.memory_space<hbm>>
    %dma_start3A_386 = tpu.memref_squeeze %dma_start3A_385 : memref<1x1x64x192xf32, #tpu.memory_space<hbm>> -> memref<64x192xf32, #tpu.memory_space<hbm>>
    %dma_start3A_387 = arith.constant 0 : i32
    %dma_start3A_388 = arith.constant 0 : i32
    %dma_start3A_389 = tpu.memref_slice %arg4[%dma_start3A_382, %add3A_300, %dma_start3A_387, %dma_start3A_388] : memref<8x64x64x384xf32, #tpu.memory_space<hbm>> -> memref<1x1x64x192xf32, #tpu.memory_space<hbm>>
    %dma_start3A_390 = tpu.memref_squeeze %dma_start3A_389 : memref<1x1x64x192xf32, #tpu.memory_space<hbm>> -> memref<64x192xf32, #tpu.memory_space<hbm>>
    tpu.enqueue_dma source(%arg5 : memref<64x192xf32, #tpu.memory_space<vmem>>) target(%dma_start3A_390 : memref<64x192xf32, #tpu.memory_space<hbm>>) target_semaphore(%arg8 : memref<!tpu.dma_semaphore, #tpu.memory_space<semaphore_mem>>)
    %dma_start3A_391 = arith.constant 1 : i32
    %dma_start3A_392 = arith.constant 3 : i32
    %dma_start3A_393 = arith.constant 0 : i32
    %dma_start3A_394 = arith.constant 0 : i32
    %dma_start3A_395 = tpu.memref_slice %arg6[%dma_start3A_391, %dma_start3A_393, %dma_start3A_394] : memref<2x64x192xf32, #tpu.memory_space<vmem>> -> memref<1x64x192xf32, #tpu.memory_space<vmem>>
    %dma_start3A_396 = tpu.memref_squeeze %dma_start3A_395 : memref<1x64x192xf32, #tpu.memory_space<vmem>> -> memref<64x192xf32, #tpu.memory_space<vmem>>
    %dma_start3A_397 = arith.constant 0 : i32
    %dma_start3A_398 = arith.constant 192 : i32
    %dma_start3A_399 = tpu.memref_slice %arg4[%dma_start3A_392, %add3A_300, %dma_start3A_397, %dma_start3A_398] : memref<8x64x64x384xf32, #tpu.memory_space<hbm>> -> memref<1x1x64x192xf32, #tpu.memory_space<hbm>>
    %dma_start3A_400 = tpu.memref_squeeze %dma_start3A_399 : memref<1x1x64x192xf32, #tpu.memory_space<hbm>> -> memref<64x192xf32, #tpu.memory_space<hbm>>
    %dma_start3A_401 = arith.constant 0 : i32
    %dma_start3A_402 = arith.constant 192 : i32
    %dma_start3A_403 = tpu.memref_slice %arg4[%dma_start3A_392, %add3A_300, %dma_start3A_401, %dma_start3A_402] : memref<8x64x64x384xf32, #tpu.memory_space<hbm>> -> memref<1x1x64x192xf32, #tpu.memory_space<hbm>>
    %dma_start3A_404 = tpu.memref_squeeze %dma_start3A_403 : memref<1x1x64x192xf32, #tpu.memory_space<hbm>> -> memref<64x192xf32, #tpu.memory_space<hbm>>
    %dma_start3A_405 = arith.constant 0 : i32
    %dma_start3A_406 = arith.constant 0 : i32
    %dma_start3A_407 = tpu.memref_slice %arg6[%dma_start3A_391, %dma_start3A_405, %dma_start3A_406] : memref<2x64x192xf32, #tpu.memory_space<vmem>> -> memref<1x64x192xf32, #tpu.memory_space<vmem>>
    %dma_start3A_408 = tpu.memref_squeeze %dma_start3A_407 : memref<1x64x192xf32, #tpu.memory_space<vmem>> -> memref<64x192xf32, #tpu.memory_space<vmem>>
    tpu.enqueue_dma source(%dma_start3A_408 : memref<64x192xf32, #tpu.memory_space<vmem>>) target(%dma_start3A_404 : memref<64x192xf32, #tpu.memory_space<hbm>>) target_semaphore(%arg8 : memref<!tpu.dma_semaphore, #tpu.memory_space<semaphore_mem>>)
    %dma_start3A_409 = arith.constant 4 : i32
    %dma_start3A_410 = arith.constant 0 : i32
    %dma_start3A_411 = arith.constant 0 : i32
    %dma_start3A_412 = tpu.memref_slice %arg4[%dma_start3A_409, %add3A_300, %dma_start3A_410, %dma_start3A_411] : memref<8x64x64x384xf32, #tpu.memory_space<hbm>> -> memref<1x1x64x192xf32, #tpu.memory_space<hbm>>
    %dma_start3A_413 = tpu.memref_squeeze %dma_start3A_412 : memref<1x1x64x192xf32, #tpu.memory_space<hbm>> -> memref<64x192xf32, #tpu.memory_space<hbm>>
    %dma_start3A_414 = arith.constant 0 : i32
    %dma_start3A_415 = arith.constant 0 : i32
    %dma_start3A_416 = tpu.memref_slice %arg4[%dma_start3A_409, %add3A_300, %dma_start3A_414, %dma_start3A_415] : memref<8x64x64x384xf32, #tpu.memory_space<hbm>> -> memref<1x1x64x192xf32, #tpu.memory_space<hbm>>
    %dma_start3A_417 = tpu.memref_squeeze %dma_start3A_416 : memref<1x1x64x192xf32, #tpu.memory_space<hbm>> -> memref<64x192xf32, #tpu.memory_space<hbm>>
    tpu.enqueue_dma source(%arg5 : memref<64x192xf32, #tpu.memory_space<vmem>>) target(%dma_start3A_417 : memref<64x192xf32, #tpu.memory_space<hbm>>) target_semaphore(%arg8 : memref<!tpu.dma_semaphore, #tpu.memory_space<semaphore_mem>>)
    %dma_start3A_418 = arith.constant 1 : i32
    %dma_start3A_419 = arith.constant 4 : i32
    %dma_start3A_420 = arith.constant 0 : i32
    %dma_start3A_421 = arith.constant 0 : i32
    %dma_start3A_422 = tpu.memref_slice %arg6[%dma_start3A_418, %dma_start3A_420, %dma_start3A_421] : memref<2x64x192xf32, #tpu.memory_space<vmem>> -> memref<1x64x192xf32, #tpu.memory_space<vmem>>
    %dma_start3A_423 = tpu.memref_squeeze %dma_start3A_422 : memref<1x64x192xf32, #tpu.memory_space<vmem>> -> memref<64x192xf32, #tpu.memory_space<vmem>>
    %dma_start3A_424 = arith.constant 0 : i32
    %dma_start3A_425 = arith.constant 192 : i32
    %dma_start3A_426 = tpu.memref_slice %arg4[%dma_start3A_419, %add3A_300, %dma_start3A_424, %dma_start3A_425] : memref<8x64x64x384xf32, #tpu.memory_space<hbm>> -> memref<1x1x64x192xf32, #tpu.memory_space<hbm>>
    %dma_start3A_427 = tpu.memref_squeeze %dma_start3A_426 : memref<1x1x64x192xf32, #tpu.memory_space<hbm>> -> memref<64x192xf32, #tpu.memory_space<hbm>>
    %dma_start3A_428 = arith.constant 0 : i32
    %dma_start3A_429 = arith.constant 192 : i32
    %dma_start3A_430 = tpu.memref_slice %arg4[%dma_start3A_419, %add3A_300, %dma_start3A_428, %dma_start3A_429] : memref<8x64x64x384xf32, #tpu.memory_space<hbm>> -> memref<1x1x64x192xf32, #tpu.memory_space<hbm>>
    %dma_start3A_431 = tpu.memref_squeeze %dma_start3A_430 : memref<1x1x64x192xf32, #tpu.memory_space<hbm>> -> memref<64x192xf32, #tpu.memory_space<hbm>>
    %dma_start3A_432 = arith.constant 0 : i32
    %dma_start3A_433 = arith.constant 0 : i32
    %dma_start3A_434 = tpu.memref_slice %arg6[%dma_start3A_418, %dma_start3A_432, %dma_start3A_433] : memref<2x64x192xf32, #tpu.memory_space<vmem>> -> memref<1x64x192xf32, #tpu.memory_space<vmem>>
    %dma_start3A_435 = tpu.memref_squeeze %dma_start3A_434 : memref<1x64x192xf32, #tpu.memory_space<vmem>> -> memref<64x192xf32, #tpu.memory_space<vmem>>
    tpu.enqueue_dma source(%dma_start3A_435 : memref<64x192xf32, #tpu.memory_space<vmem>>) target(%dma_start3A_431 : memref<64x192xf32, #tpu.memory_space<hbm>>) target_semaphore(%arg8 : memref<!tpu.dma_semaphore, #tpu.memory_space<semaphore_mem>>)
    %dma_start3A_436 = arith.constant 5 : i32
    %dma_start3A_437 = arith.constant 0 : i32
    %dma_start3A_438 = arith.constant 0 : i32
    %dma_start3A_439 = tpu.memref_slice %arg4[%dma_start3A_436, %add3A_300, %dma_start3A_437, %dma_start3A_438] : memref<8x64x64x384xf32, #tpu.memory_space<hbm>> -> memref<1x1x64x192xf32, #tpu.memory_space<hbm>>
    %dma_start3A_440 = tpu.memref_squeeze %dma_start3A_439 : memref<1x1x64x192xf32, #tpu.memory_space<hbm>> -> memref<64x192xf32, #tpu.memory_space<hbm>>
    %dma_start3A_441 = arith.constant 0 : i32
    %dma_start3A_442 = arith.constant 0 : i32
    %dma_start3A_443 = tpu.memref_slice %arg4[%dma_start3A_436, %add3A_300, %dma_start3A_441, %dma_start3A_442] : memref<8x64x64x384xf32, #tpu.memory_space<hbm>> -> memref<1x1x64x192xf32, #tpu.memory_space<hbm>>
    %dma_start3A_444 = tpu.memref_squeeze %dma_start3A_443 : memref<1x1x64x192xf32, #tpu.memory_space<hbm>> -> memref<64x192xf32, #tpu.memory_space<hbm>>
    tpu.enqueue_dma source(%arg5 : memref<64x192xf32, #tpu.memory_space<vmem>>) target(%dma_start3A_444 : memref<64x192xf32, #tpu.memory_space<hbm>>) target_semaphore(%arg8 : memref<!tpu.dma_semaphore, #tpu.memory_space<semaphore_mem>>)
    %dma_start3A_445 = arith.constant 1 : i32
    %dma_start3A_446 = arith.constant 5 : i32
    %dma_start3A_447 = arith.constant 0 : i32
    %dma_start3A_448 = arith.constant 0 : i32
    %dma_start3A_449 = tpu.memref_slice %arg6[%dma_start3A_445, %dma_start3A_447, %dma_start3A_448] : memref<2x64x192xf32, #tpu.memory_space<vmem>> -> memref<1x64x192xf32, #tpu.memory_space<vmem>>
    %dma_start3A_450 = tpu.memref_squeeze %dma_start3A_449 : memref<1x64x192xf32, #tpu.memory_space<vmem>> -> memref<64x192xf32, #tpu.memory_space<vmem>>
    %dma_start3A_451 = arith.constant 0 : i32
    %dma_start3A_452 = arith.constant 192 : i32
    %dma_start3A_453 = tpu.memref_slice %arg4[%dma_start3A_446, %add3A_300, %dma_start3A_451, %dma_start3A_452] : memref<8x64x64x384xf32, #tpu.memory_space<hbm>> -> memref<1x1x64x192xf32, #tpu.memory_space<hbm>>
    %dma_start3A_454 = tpu.memref_squeeze %dma_start3A_453 : memref<1x1x64x192xf32, #tpu.memory_space<hbm>> -> memref<64x192xf32, #tpu.memory_space<hbm>>
    %dma_start3A_455 = arith.constant 0 : i32
    %dma_start3A_456 = arith.constant 192 : i32
    %dma_start3A_457 = tpu.memref_slice %arg4[%dma_start3A_446, %add3A_300, %dma_start3A_455, %dma_start3A_456] : memref<8x64x64x384xf32, #tpu.memory_space<hbm>> -> memref<1x1x64x192xf32, #tpu.memory_space<hbm>>
    %dma_start3A_458 = tpu.memref_squeeze %dma_start3A_457 : memref<1x1x64x192xf32, #tpu.memory_space<hbm>> -> memref<64x192xf32, #tpu.memory_space<hbm>>
    %dma_start3A_459 = arith.constant 0 : i32
    %dma_start3A_460 = arith.constant 0 : i32
    %dma_start3A_461 = tpu.memref_slice %arg6[%dma_start3A_445, %dma_start3A_459, %dma_start3A_460] : memref<2x64x192xf32, #tpu.memory_space<vmem>> -> memref<1x64x192xf32, #tpu.memory_space<vmem>>
    %dma_start3A_462 = tpu.memref_squeeze %dma_start3A_461 : memref<1x64x192xf32, #tpu.memory_space<vmem>> -> memref<64x192xf32, #tpu.memory_space<vmem>>
    tpu.enqueue_dma source(%dma_start3A_462 : memref<64x192xf32, #tpu.memory_space<vmem>>) target(%dma_start3A_458 : memref<64x192xf32, #tpu.memory_space<hbm>>) target_semaphore(%arg8 : memref<!tpu.dma_semaphore, #tpu.memory_space<semaphore_mem>>)
    %dma_start3A_463 = arith.constant 6 : i32
    %dma_start3A_464 = arith.constant 0 : i32
    %dma_start3A_465 = arith.constant 0 : i32
    %dma_start3A_466 = tpu.memref_slice %arg4[%dma_start3A_463, %add3A_300, %dma_start3A_464, %dma_start3A_465] : memref<8x64x64x384xf32, #tpu.memory_space<hbm>> -> memref<1x1x64x192xf32, #tpu.memory_space<hbm>>
    %dma_start3A_467 = tpu.memref_squeeze %dma_start3A_466 : memref<1x1x64x192xf32, #tpu.memory_space<hbm>> -> memref<64x192xf32, #tpu.memory_space<hbm>>
    %dma_start3A_468 = arith.constant 0 : i32
    %dma_start3A_469 = arith.constant 0 : i32
    %dma_start3A_470 = tpu.memref_slice %arg4[%dma_start3A_463, %add3A_300, %dma_start3A_468, %dma_start3A_469] : memref<8x64x64x384xf32, #tpu.memory_space<hbm>> -> memref<1x1x64x192xf32, #tpu.memory_space<hbm>>
    %dma_start3A_471 = tpu.memref_squeeze %dma_start3A_470 : memref<1x1x64x192xf32, #tpu.memory_space<hbm>> -> memref<64x192xf32, #tpu.memory_space<hbm>>
    tpu.enqueue_dma source(%arg5 : memref<64x192xf32, #tpu.memory_space<vmem>>) target(%dma_start3A_471 : memref<64x192xf32, #tpu.memory_space<hbm>>) target_semaphore(%arg8 : memref<!tpu.dma_semaphore, #tpu.memory_space<semaphore_mem>>)
    %dma_start3A_472 = arith.constant 1 : i32
    %dma_start3A_473 = arith.constant 6 : i32
    %dma_start3A_474 = arith.constant 0 : i32
    %dma_start3A_475 = arith.constant 0 : i32
    %dma_start3A_476 = tpu.memref_slice %arg6[%dma_start3A_472, %dma_start3A_474, %dma_start3A_475] : memref<2x64x192xf32, #tpu.memory_space<vmem>> -> memref<1x64x192xf32, #tpu.memory_space<vmem>>
    %dma_start3A_477 = tpu.memref_squeeze %dma_start3A_476 : memref<1x64x192xf32, #tpu.memory_space<vmem>> -> memref<64x192xf32, #tpu.memory_space<vmem>>
    %dma_start3A_478 = arith.constant 0 : i32
    %dma_start3A_479 = arith.constant 192 : i32
    %dma_start3A_480 = tpu.memref_slice %arg4[%dma_start3A_473, %add3A_300, %dma_start3A_478, %dma_start3A_479] : memref<8x64x64x384xf32, #tpu.memory_space<hbm>> -> memref<1x1x64x192xf32, #tpu.memory_space<hbm>>
    %dma_start3A_481 = tpu.memref_squeeze %dma_start3A_480 : memref<1x1x64x192xf32, #tpu.memory_space<hbm>> -> memref<64x192xf32, #tpu.memory_space<hbm>>
    %dma_start3A_482 = arith.constant 0 : i32
    %dma_start3A_483 = arith.constant 192 : i32
    %dma_start3A_484 = tpu.memref_slice %arg4[%dma_start3A_473, %add3A_300, %dma_start3A_482, %dma_start3A_483] : memref<8x64x64x384xf32, #tpu.memory_space<hbm>> -> memref<1x1x64x192xf32, #tpu.memory_space<hbm>>
    %dma_start3A_485 = tpu.memref_squeeze %dma_start3A_484 : memref<1x1x64x192xf32, #tpu.memory_space<hbm>> -> memref<64x192xf32, #tpu.memory_space<hbm>>
    %dma_start3A_486 = arith.constant 0 : i32
    %dma_start3A_487 = arith.constant 0 : i32
    %dma_start3A_488 = tpu.memref_slice %arg6[%dma_start3A_472, %dma_start3A_486, %dma_start3A_487] : memref<2x64x192xf32, #tpu.memory_space<vmem>> -> memref<1x64x192xf32, #tpu.memory_space<vmem>>
    %dma_start3A_489 = tpu.memref_squeeze %dma_start3A_488 : memref<1x64x192xf32, #tpu.memory_space<vmem>> -> memref<64x192xf32, #tpu.memory_space<vmem>>
    tpu.enqueue_dma source(%dma_start3A_489 : memref<64x192xf32, #tpu.memory_space<vmem>>) target(%dma_start3A_485 : memref<64x192xf32, #tpu.memory_space<hbm>>) target_semaphore(%arg8 : memref<!tpu.dma_semaphore, #tpu.memory_space<semaphore_mem>>)
    %dma_start3A_490 = arith.constant 7 : i32
    %dma_start3A_491 = arith.constant 0 : i32
    %dma_start3A_492 = arith.constant 0 : i32
    %dma_start3A_493 = tpu.memref_slice %arg4[%dma_start3A_490, %add3A_300, %dma_start3A_491, %dma_start3A_492] : memref<8x64x64x384xf32, #tpu.memory_space<hbm>> -> memref<1x1x64x192xf32, #tpu.memory_space<hbm>>
    %dma_start3A_494 = tpu.memref_squeeze %dma_start3A_493 : memref<1x1x64x192xf32, #tpu.memory_space<hbm>> -> memref<64x192xf32, #tpu.memory_space<hbm>>
    %dma_start3A_495 = arith.constant 0 : i32
    %dma_start3A_496 = arith.constant 0 : i32
    %dma_start3A_497 = tpu.memref_slice %arg4[%dma_start3A_490, %add3A_300, %dma_start3A_495, %dma_start3A_496] : memref<8x64x64x384xf32, #tpu.memory_space<hbm>> -> memref<1x1x64x192xf32, #tpu.memory_space<hbm>>
    %dma_start3A_498 = tpu.memref_squeeze %dma_start3A_497 : memref<1x1x64x192xf32, #tpu.memory_space<hbm>> -> memref<64x192xf32, #tpu.memory_space<hbm>>
    tpu.enqueue_dma source(%arg5 : memref<64x192xf32, #tpu.memory_space<vmem>>) target(%dma_start3A_498 : memref<64x192xf32, #tpu.memory_space<hbm>>) target_semaphore(%arg8 : memref<!tpu.dma_semaphore, #tpu.memory_space<semaphore_mem>>)
    %dma_start3A_499 = arith.constant 1 : i32
    %dma_start3A_500 = arith.constant 7 : i32
    %dma_start3A_501 = arith.constant 0 : i32
    %dma_start3A_502 = arith.constant 0 : i32
    %dma_start3A_503 = tpu.memref_slice %arg6[%dma_start3A_499, %dma_start3A_501, %dma_start3A_502] : memref<2x64x192xf32, #tpu.memory_space<vmem>> -> memref<1x64x192xf32, #tpu.memory_space<vmem>>
    %dma_start3A_504 = tpu.memref_squeeze %dma_start3A_503 : memref<1x64x192xf32, #tpu.memory_space<vmem>> -> memref<64x192xf32, #tpu.memory_space<vmem>>
    %dma_start3A_505 = arith.constant 0 : i32
    %dma_start3A_506 = arith.constant 192 : i32
    %dma_start3A_507 = tpu.memref_slice %arg4[%dma_start3A_500, %add3A_300, %dma_start3A_505, %dma_start3A_506] : memref<8x64x64x384xf32, #tpu.memory_space<hbm>> -> memref<1x1x64x192xf32, #tpu.memory_space<hbm>>
    %dma_start3A_508 = tpu.memref_squeeze %dma_start3A_507 : memref<1x1x64x192xf32, #tpu.memory_space<hbm>> -> memref<64x192xf32, #tpu.memory_space<hbm>>
    %dma_start3A_509 = arith.constant 0 : i32
    %dma_start3A_510 = arith.constant 192 : i32
    %dma_start3A_511 = tpu.memref_slice %arg4[%dma_start3A_500, %add3A_300, %dma_start3A_509, %dma_start3A_510] : memref<8x64x64x384xf32, #tpu.memory_space<hbm>> -> memref<1x1x64x192xf32, #tpu.memory_space<hbm>>
    %dma_start3A_512 = tpu.memref_squeeze %dma_start3A_511 : memref<1x1x64x192xf32, #tpu.memory_space<hbm>> -> memref<64x192xf32, #tpu.memory_space<hbm>>
    %dma_start3A_513 = arith.constant 0 : i32
    %dma_start3A_514 = arith.constant 0 : i32
    %dma_start3A_515 = tpu.memref_slice %arg6[%dma_start3A_499, %dma_start3A_513, %dma_start3A_514] : memref<2x64x192xf32, #tpu.memory_space<vmem>> -> memref<1x64x192xf32, #tpu.memory_space<vmem>>
    %dma_start3A_516 = tpu.memref_squeeze %dma_start3A_515 : memref<1x64x192xf32, #tpu.memory_space<vmem>> -> memref<64x192xf32, #tpu.memory_space<vmem>>
    tpu.enqueue_dma source(%dma_start3A_516 : memref<64x192xf32, #tpu.memory_space<vmem>>) target(%dma_start3A_512 : memref<64x192xf32, #tpu.memory_space<hbm>>) target_semaphore(%arg8 : memref<!tpu.dma_semaphore, #tpu.memory_space<semaphore_mem>>)
    %dma_wait3A_517 = arith.constant 0 : i32
    %dma_wait3A_518 = arith.constant 0 : i32
    %dma_wait3A_519 = arith.constant 0 : i32
    %dma_wait3A_520 = tpu.memref_slice %arg4[%dma_wait3A_517, %add3A_80, %dma_wait3A_518, %dma_wait3A_519] : memref<8x64x64x384xf32, #tpu.memory_space<hbm>> -> memref<1x1x64x192xf32, #tpu.memory_space<hbm>>
    %dma_wait3A_521 = tpu.memref_squeeze %dma_wait3A_520 : memref<1x1x64x192xf32, #tpu.memory_space<hbm>> -> memref<64x192xf32, #tpu.memory_space<hbm>>
    %dma_wait3A_522 = arith.constant 0 : i32
    %dma_wait3A_523 = arith.constant 0 : i32
    %dma_wait3A_524 = tpu.memref_slice %arg4[%dma_wait3A_517, %add3A_80, %dma_wait3A_522, %dma_wait3A_523] : memref<8x64x64x384xf32, #tpu.memory_space<hbm>> -> memref<1x1x64x192xf32, #tpu.memory_space<hbm>>
    %dma_wait3A_525 = tpu.memref_squeeze %dma_wait3A_524 : memref<1x1x64x192xf32, #tpu.memory_space<hbm>> -> memref<64x192xf32, #tpu.memory_space<hbm>>
    tpu.wait_dma2 semaphore(%arg8 : memref<!tpu.dma_semaphore, #tpu.memory_space<semaphore_mem>>) src(%arg5 : memref<64x192xf32, #tpu.memory_space<vmem>>) dst(%dma_wait3A_525 : memref<64x192xf32, #tpu.memory_space<hbm>>)
    %dma_wait3A_526 = arith.constant 0 : i32
    %dma_wait3A_527 = arith.constant 0 : i32
    %dma_wait3A_528 = arith.constant 0 : i32
    %dma_wait3A_529 = arith.constant 0 : i32
    %dma_wait3A_530 = tpu.memref_slice %arg6[%dma_wait3A_526, %dma_wait3A_528, %dma_wait3A_529] : memref<2x64x192xf32, #tpu.memory_space<vmem>> -> memref<1x64x192xf32, #tpu.memory_space<vmem>>
    %dma_wait3A_531 = tpu.memref_squeeze %dma_wait3A_530 : memref<1x64x192xf32, #tpu.memory_space<vmem>> -> memref<64x192xf32, #tpu.memory_space<vmem>>
    %dma_wait3A_532 = arith.constant 0 : i32
    %dma_wait3A_533 = arith.constant 192 : i32
    %dma_wait3A_534 = tpu.memref_slice %arg4[%dma_wait3A_527, %add3A_80, %dma_wait3A_532, %dma_wait3A_533] : memref<8x64x64x384xf32, #tpu.memory_space<hbm>> -> memref<1x1x64x192xf32, #tpu.memory_space<hbm>>
    %dma_wait3A_535 = tpu.memref_squeeze %dma_wait3A_534 : memref<1x1x64x192xf32, #tpu.memory_space<hbm>> -> memref<64x192xf32, #tpu.memory_space<hbm>>
    %dma_wait3A_536 = arith.constant 0 : i32
    %dma_wait3A_537 = arith.constant 192 : i32
    %dma_wait3A_538 = tpu.memref_slice %arg4[%dma_wait3A_527, %add3A_80, %dma_wait3A_536, %dma_wait3A_537] : memref<8x64x64x384xf32, #tpu.memory_space<hbm>> -> memref<1x1x64x192xf32, #tpu.memory_space<hbm>>
    %dma_wait3A_539 = tpu.memref_squeeze %dma_wait3A_538 : memref<1x1x64x192xf32, #tpu.memory_space<hbm>> -> memref<64x192xf32, #tpu.memory_space<hbm>>
    %dma_wait3A_540 = arith.constant 0 : i32
    %dma_wait3A_541 = arith.constant 0 : i32
    %dma_wait3A_542 = tpu.memref_slice %arg6[%dma_wait3A_526, %dma_wait3A_540, %dma_wait3A_541] : memref<2x64x192xf32, #tpu.memory_space<vmem>> -> memref<1x64x192xf32, #tpu.memory_space<vmem>>
    %dma_wait3A_543 = tpu.memref_squeeze %dma_wait3A_542 : memref<1x64x192xf32, #tpu.memory_space<vmem>> -> memref<64x192xf32, #tpu.memory_space<vmem>>
    tpu.wait_dma2 semaphore(%arg8 : memref<!tpu.dma_semaphore, #tpu.memory_space<semaphore_mem>>) src(%dma_wait3A_543 : memref<64x192xf32, #tpu.memory_space<vmem>>) dst(%dma_wait3A_539 : memref<64x192xf32, #tpu.memory_space<hbm>>)
    %dma_wait3A_544 = arith.constant 1 : i32
    %dma_wait3A_545 = arith.constant 0 : i32
    %dma_wait3A_546 = arith.constant 0 : i32
    %dma_wait3A_547 = tpu.memref_slice %arg4[%dma_wait3A_544, %add3A_80, %dma_wait3A_545, %dma_wait3A_546] : memref<8x64x64x384xf32, #tpu.memory_space<hbm>> -> memref<1x1x64x192xf32, #tpu.memory_space<hbm>>
    %dma_wait3A_548 = tpu.memref_squeeze %dma_wait3A_547 : memref<1x1x64x192xf32, #tpu.memory_space<hbm>> -> memref<64x192xf32, #tpu.memory_space<hbm>>
    %dma_wait3A_549 = arith.constant 0 : i32
    %dma_wait3A_550 = arith.constant 0 : i32
    %dma_wait3A_551 = tpu.memref_slice %arg4[%dma_wait3A_544, %add3A_80, %dma_wait3A_549, %dma_wait3A_550] : memref<8x64x64x384xf32, #tpu.memory_space<hbm>> -> memref<1x1x64x192xf32, #tpu.memory_space<hbm>>
    %dma_wait3A_552 = tpu.memref_squeeze %dma_wait3A_551 : memref<1x1x64x192xf32, #tpu.memory_space<hbm>> -> memref<64x192xf32, #tpu.memory_space<hbm>>
    tpu.wait_dma2 semaphore(%arg8 : memref<!tpu.dma_semaphore, #tpu.memory_space<semaphore_mem>>) src(%arg5 : memref<64x192xf32, #tpu.memory_space<vmem>>) dst(%dma_wait3A_552 : memref<64x192xf32, #tpu.memory_space<hbm>>)
    %dma_wait3A_553 = arith.constant 0 : i32
    %dma_wait3A_554 = arith.constant 1 : i32
    %dma_wait3A_555 = arith.constant 0 : i32
    %dma_wait3A_556 = arith.constant 0 : i32
    %dma_wait3A_557 = tpu.memref_slice %arg6[%dma_wait3A_553, %dma_wait3A_555, %dma_wait3A_556] : memref<2x64x192xf32, #tpu.memory_space<vmem>> -> memref<1x64x192xf32, #tpu.memory_space<vmem>>
    %dma_wait3A_558 = tpu.memref_squeeze %dma_wait3A_557 : memref<1x64x192xf32, #tpu.memory_space<vmem>> -> memref<64x192xf32, #tpu.memory_space<vmem>>
    %dma_wait3A_559 = arith.constant 0 : i32
    %dma_wait3A_560 = arith.constant 192 : i32
    %dma_wait3A_561 = tpu.memref_slice %arg4[%dma_wait3A_554, %add3A_80, %dma_wait3A_559, %dma_wait3A_560] : memref<8x64x64x384xf32, #tpu.memory_space<hbm>> -> memref<1x1x64x192xf32, #tpu.memory_space<hbm>>
    %dma_wait3A_562 = tpu.memref_squeeze %dma_wait3A_561 : memref<1x1x64x192xf32, #tpu.memory_space<hbm>> -> memref<64x192xf32, #tpu.memory_space<hbm>>
    %dma_wait3A_563 = arith.constant 0 : i32
    %dma_wait3A_564 = arith.constant 192 : i32
    %dma_wait3A_565 = tpu.memref_slice %arg4[%dma_wait3A_554, %add3A_80, %dma_wait3A_563, %dma_wait3A_564] : memref<8x64x64x384xf32, #tpu.memory_space<hbm>> -> memref<1x1x64x192xf32, #tpu.memory_space<hbm>>
    %dma_wait3A_566 = tpu.memref_squeeze %dma_wait3A_565 : memref<1x1x64x192xf32, #tpu.memory_space<hbm>> -> memref<64x192xf32, #tpu.memory_space<hbm>>
    %dma_wait3A_567 = arith.constant 0 : i32
    %dma_wait3A_568 = arith.constant 0 : i32
    %dma_wait3A_569 = tpu.memref_slice %arg6[%dma_wait3A_553, %dma_wait3A_567, %dma_wait3A_568] : memref<2x64x192xf32, #tpu.memory_space<vmem>> -> memref<1x64x192xf32, #tpu.memory_space<vmem>>
    %dma_wait3A_570 = tpu.memref_squeeze %dma_wait3A_569 : memref<1x64x192xf32, #tpu.memory_space<vmem>> -> memref<64x192xf32, #tpu.memory_space<vmem>>
    tpu.wait_dma2 semaphore(%arg8 : memref<!tpu.dma_semaphore, #tpu.memory_space<semaphore_mem>>) src(%dma_wait3A_570 : memref<64x192xf32, #tpu.memory_space<vmem>>) dst(%dma_wait3A_566 : memref<64x192xf32, #tpu.memory_space<hbm>>)
    %dma_wait3A_571 = arith.constant 2 : i32
    %dma_wait3A_572 = arith.constant 0 : i32
    %dma_wait3A_573 = arith.constant 0 : i32
    %dma_wait3A_574 = tpu.memref_slice %arg4[%dma_wait3A_571, %add3A_80, %dma_wait3A_572, %dma_wait3A_573] : memref<8x64x64x384xf32, #tpu.memory_space<hbm>> -> memref<1x1x64x192xf32, #tpu.memory_space<hbm>>
    %dma_wait3A_575 = tpu.memref_squeeze %dma_wait3A_574 : memref<1x1x64x192xf32, #tpu.memory_space<hbm>> -> memref<64x192xf32, #tpu.memory_space<hbm>>
    %dma_wait3A_576 = arith.constant 0 : i32
    %dma_wait3A_577 = arith.constant 0 : i32
    %dma_wait3A_578 = tpu.memref_slice %arg4[%dma_wait3A_571, %add3A_80, %dma_wait3A_576, %dma_wait3A_577] : memref<8x64x64x384xf32, #tpu.memory_space<hbm>> -> memref<1x1x64x192xf32, #tpu.memory_space<hbm>>
    %dma_wait3A_579 = tpu.memref_squeeze %dma_wait3A_578 : memref<1x1x64x192xf32, #tpu.memory_space<hbm>> -> memref<64x192xf32, #tpu.memory_space<hbm>>
    tpu.wait_dma2 semaphore(%arg8 : memref<!tpu.dma_semaphore, #tpu.memory_space<semaphore_mem>>) src(%arg5 : memref<64x192xf32, #tpu.memory_space<vmem>>) dst(%dma_wait3A_579 : memref<64x192xf32, #tpu.memory_space<hbm>>)
    %dma_wait3A_580 = arith.constant 0 : i32
    %dma_wait3A_581 = arith.constant 2 : i32
    %dma_wait3A_582 = arith.constant 0 : i32
    %dma_wait3A_583 = arith.constant 0 : i32
    %dma_wait3A_584 = tpu.memref_slice %arg6[%dma_wait3A_580, %dma_wait3A_582, %dma_wait3A_583] : memref<2x64x192xf32, #tpu.memory_space<vmem>> -> memref<1x64x192xf32, #tpu.memory_space<vmem>>
    %dma_wait3A_585 = tpu.memref_squeeze %dma_wait3A_584 : memref<1x64x192xf32, #tpu.memory_space<vmem>> -> memref<64x192xf32, #tpu.memory_space<vmem>>
    %dma_wait3A_586 = arith.constant 0 : i32
    %dma_wait3A_587 = arith.constant 192 : i32
    %dma_wait3A_588 = tpu.memref_slice %arg4[%dma_wait3A_581, %add3A_80, %dma_wait3A_586, %dma_wait3A_587] : memref<8x64x64x384xf32, #tpu.memory_space<hbm>> -> memref<1x1x64x192xf32, #tpu.memory_space<hbm>>
    %dma_wait3A_589 = tpu.memref_squeeze %dma_wait3A_588 : memref<1x1x64x192xf32, #tpu.memory_space<hbm>> -> memref<64x192xf32, #tpu.memory_space<hbm>>
    %dma_wait3A_590 = arith.constant 0 : i32
    %dma_wait3A_591 = arith.constant 192 : i32
    %dma_wait3A_592 = tpu.memref_slice %arg4[%dma_wait3A_581, %add3A_80, %dma_wait3A_590, %dma_wait3A_591] : memref<8x64x64x384xf32, #tpu.memory_space<hbm>> -> memref<1x1x64x192xf32, #tpu.memory_space<hbm>>
    %dma_wait3A_593 = tpu.memref_squeeze %dma_wait3A_592 : memref<1x1x64x192xf32, #tpu.memory_space<hbm>> -> memref<64x192xf32, #tpu.memory_space<hbm>>
    %dma_wait3A_594 = arith.constant 0 : i32
    %dma_wait3A_595 = arith.constant 0 : i32
    %dma_wait3A_596 = tpu.memref_slice %arg6[%dma_wait3A_580, %dma_wait3A_594, %dma_wait3A_595] : memref<2x64x192xf32, #tpu.memory_space<vmem>> -> memref<1x64x192xf32, #tpu.memory_space<vmem>>
    %dma_wait3A_597 = tpu.memref_squeeze %dma_wait3A_596 : memref<1x64x192xf32, #tpu.memory_space<vmem>> -> memref<64x192xf32, #tpu.memory_space<vmem>>
    tpu.wait_dma2 semaphore(%arg8 : memref<!tpu.dma_semaphore, #tpu.memory_space<semaphore_mem>>) src(%dma_wait3A_597 : memref<64x192xf32, #tpu.memory_space<vmem>>) dst(%dma_wait3A_593 : memref<64x192xf32, #tpu.memory_space<hbm>>)
    %dma_wait3A_598 = arith.constant 3 : i32
    %dma_wait3A_599 = arith.constant 0 : i32
    %dma_wait3A_600 = arith.constant 0 : i32
    %dma_wait3A_601 = tpu.memref_slice %arg4[%dma_wait3A_598, %add3A_80, %dma_wait3A_599, %dma_wait3A_600] : memref<8x64x64x384xf32, #tpu.memory_space<hbm>> -> memref<1x1x64x192xf32, #tpu.memory_space<hbm>>
    %dma_wait3A_602 = tpu.memref_squeeze %dma_wait3A_601 : memref<1x1x64x192xf32, #tpu.memory_space<hbm>> -> memref<64x192xf32, #tpu.memory_space<hbm>>
    %dma_wait3A_603 = arith.constant 0 : i32
    %dma_wait3A_604 = arith.constant 0 : i32
    %dma_wait3A_605 = tpu.memref_slice %arg4[%dma_wait3A_598, %add3A_80, %dma_wait3A_603, %dma_wait3A_604] : memref<8x64x64x384xf32, #tpu.memory_space<hbm>> -> memref<1x1x64x192xf32, #tpu.memory_space<hbm>>
    %dma_wait3A_606 = tpu.memref_squeeze %dma_wait3A_605 : memref<1x1x64x192xf32, #tpu.memory_space<hbm>> -> memref<64x192xf32, #tpu.memory_space<hbm>>
    tpu.wait_dma2 semaphore(%arg8 : memref<!tpu.dma_semaphore, #tpu.memory_space<semaphore_mem>>) src(%arg5 : memref<64x192xf32, #tpu.memory_space<vmem>>) dst(%dma_wait3A_606 : memref<64x192xf32, #tpu.memory_space<hbm>>)
    %dma_wait3A_607 = arith.constant 0 : i32
    %dma_wait3A_608 = arith.constant 3 : i32
    %dma_wait3A_609 = arith.constant 0 : i32
    %dma_wait3A_610 = arith.constant 0 : i32
    %dma_wait3A_611 = tpu.memref_slice %arg6[%dma_wait3A_607, %dma_wait3A_609, %dma_wait3A_610] : memref<2x64x192xf32, #tpu.memory_space<vmem>> -> memref<1x64x192xf32, #tpu.memory_space<vmem>>
    %dma_wait3A_612 = tpu.memref_squeeze %dma_wait3A_611 : memref<1x64x192xf32, #tpu.memory_space<vmem>> -> memref<64x192xf32, #tpu.memory_space<vmem>>
    %dma_wait3A_613 = arith.constant 0 : i32
    %dma_wait3A_614 = arith.constant 192 : i32
    %dma_wait3A_615 = tpu.memref_slice %arg4[%dma_wait3A_608, %add3A_80, %dma_wait3A_613, %dma_wait3A_614] : memref<8x64x64x384xf32, #tpu.memory_space<hbm>> -> memref<1x1x64x192xf32, #tpu.memory_space<hbm>>
    %dma_wait3A_616 = tpu.memref_squeeze %dma_wait3A_615 : memref<1x1x64x192xf32, #tpu.memory_space<hbm>> -> memref<64x192xf32, #tpu.memory_space<hbm>>
    %dma_wait3A_617 = arith.constant 0 : i32
    %dma_wait3A_618 = arith.constant 192 : i32
    %dma_wait3A_619 = tpu.memref_slice %arg4[%dma_wait3A_608, %add3A_80, %dma_wait3A_617, %dma_wait3A_618] : memref<8x64x64x384xf32, #tpu.memory_space<hbm>> -> memref<1x1x64x192xf32, #tpu.memory_space<hbm>>
    %dma_wait3A_620 = tpu.memref_squeeze %dma_wait3A_619 : memref<1x1x64x192xf32, #tpu.memory_space<hbm>> -> memref<64x192xf32, #tpu.memory_space<hbm>>
    %dma_wait3A_621 = arith.constant 0 : i32
    %dma_wait3A_622 = arith.constant 0 : i32
    %dma_wait3A_623 = tpu.memref_slice %arg6[%dma_wait3A_607, %dma_wait3A_621, %dma_wait3A_622] : memref<2x64x192xf32, #tpu.memory_space<vmem>> -> memref<1x64x192xf32, #tpu.memory_space<vmem>>
    %dma_wait3A_624 = tpu.memref_squeeze %dma_wait3A_623 : memref<1x64x192xf32, #tpu.memory_space<vmem>> -> memref<64x192xf32, #tpu.memory_space<vmem>>
    tpu.wait_dma2 semaphore(%arg8 : memref<!tpu.dma_semaphore, #tpu.memory_space<semaphore_mem>>) src(%dma_wait3A_624 : memref<64x192xf32, #tpu.memory_space<vmem>>) dst(%dma_wait3A_620 : memref<64x192xf32, #tpu.memory_space<hbm>>)
    %dma_wait3A_625 = arith.constant 4 : i32
    %dma_wait3A_626 = arith.constant 0 : i32
    %dma_wait3A_627 = arith.constant 0 : i32
    %dma_wait3A_628 = tpu.memref_slice %arg4[%dma_wait3A_625, %add3A_80, %dma_wait3A_626, %dma_wait3A_627] : memref<8x64x64x384xf32, #tpu.memory_space<hbm>> -> memref<1x1x64x192xf32, #tpu.memory_space<hbm>>
    %dma_wait3A_629 = tpu.memref_squeeze %dma_wait3A_628 : memref<1x1x64x192xf32, #tpu.memory_space<hbm>> -> memref<64x192xf32, #tpu.memory_space<hbm>>
    %dma_wait3A_630 = arith.constant 0 : i32
    %dma_wait3A_631 = arith.constant 0 : i32
    %dma_wait3A_632 = tpu.memref_slice %arg4[%dma_wait3A_625, %add3A_80, %dma_wait3A_630, %dma_wait3A_631] : memref<8x64x64x384xf32, #tpu.memory_space<hbm>> -> memref<1x1x64x192xf32, #tpu.memory_space<hbm>>
    %dma_wait3A_633 = tpu.memref_squeeze %dma_wait3A_632 : memref<1x1x64x192xf32, #tpu.memory_space<hbm>> -> memref<64x192xf32, #tpu.memory_space<hbm>>
    tpu.wait_dma2 semaphore(%arg8 : memref<!tpu.dma_semaphore, #tpu.memory_space<semaphore_mem>>) src(%arg5 : memref<64x192xf32, #tpu.memory_space<vmem>>) dst(%dma_wait3A_633 : memref<64x192xf32, #tpu.memory_space<hbm>>)
    %dma_wait3A_634 = arith.constant 0 : i32
    %dma_wait3A_635 = arith.constant 4 : i32
    %dma_wait3A_636 = arith.constant 0 : i32
    %dma_wait3A_637 = arith.constant 0 : i32
    %dma_wait3A_638 = tpu.memref_slice %arg6[%dma_wait3A_634, %dma_wait3A_636, %dma_wait3A_637] : memref<2x64x192xf32, #tpu.memory_space<vmem>> -> memref<1x64x192xf32, #tpu.memory_space<vmem>>
    %dma_wait3A_639 = tpu.memref_squeeze %dma_wait3A_638 : memref<1x64x192xf32, #tpu.memory_space<vmem>> -> memref<64x192xf32, #tpu.memory_space<vmem>>
    %dma_wait3A_640 = arith.constant 0 : i32
    %dma_wait3A_641 = arith.constant 192 : i32
    %dma_wait3A_642 = tpu.memref_slice %arg4[%dma_wait3A_635, %add3A_80, %dma_wait3A_640, %dma_wait3A_641] : memref<8x64x64x384xf32, #tpu.memory_space<hbm>> -> memref<1x1x64x192xf32, #tpu.memory_space<hbm>>
    %dma_wait3A_643 = tpu.memref_squeeze %dma_wait3A_642 : memref<1x1x64x192xf32, #tpu.memory_space<hbm>> -> memref<64x192xf32, #tpu.memory_space<hbm>>
    %dma_wait3A_644 = arith.constant 0 : i32
    %dma_wait3A_645 = arith.constant 192 : i32
    %dma_wait3A_646 = tpu.memref_slice %arg4[%dma_wait3A_635, %add3A_80, %dma_wait3A_644, %dma_wait3A_645] : memref<8x64x64x384xf32, #tpu.memory_space<hbm>> -> memref<1x1x64x192xf32, #tpu.memory_space<hbm>>
    %dma_wait3A_647 = tpu.memref_squeeze %dma_wait3A_646 : memref<1x1x64x192xf32, #tpu.memory_space<hbm>> -> memref<64x192xf32, #tpu.memory_space<hbm>>
    %dma_wait3A_648 = arith.constant 0 : i32
    %dma_wait3A_649 = arith.constant 0 : i32
    %dma_wait3A_650 = tpu.memref_slice %arg6[%dma_wait3A_634, %dma_wait3A_648, %dma_wait3A_649] : memref<2x64x192xf32, #tpu.memory_space<vmem>> -> memref<1x64x192xf32, #tpu.memory_space<vmem>>
    %dma_wait3A_651 = tpu.memref_squeeze %dma_wait3A_650 : memref<1x64x192xf32, #tpu.memory_space<vmem>> -> memref<64x192xf32, #tpu.memory_space<vmem>>
    tpu.wait_dma2 semaphore(%arg8 : memref<!tpu.dma_semaphore, #tpu.memory_space<semaphore_mem>>) src(%dma_wait3A_651 : memref<64x192xf32, #tpu.memory_space<vmem>>) dst(%dma_wait3A_647 : memref<64x192xf32, #tpu.memory_space<hbm>>)
    %dma_wait3A_652 = arith.constant 5 : i32
    %dma_wait3A_653 = arith.constant 0 : i32
    %dma_wait3A_654 = arith.constant 0 : i32
    %dma_wait3A_655 = tpu.memref_slice %arg4[%dma_wait3A_652, %add3A_80, %dma_wait3A_653, %dma_wait3A_654] : memref<8x64x64x384xf32, #tpu.memory_space<hbm>> -> memref<1x1x64x192xf32, #tpu.memory_space<hbm>>
    %dma_wait3A_656 = tpu.memref_squeeze %dma_wait3A_655 : memref<1x1x64x192xf32, #tpu.memory_space<hbm>> -> memref<64x192xf32, #tpu.memory_space<hbm>>
    %dma_wait3A_657 = arith.constant 0 : i32
    %dma_wait3A_658 = arith.constant 0 : i32
    %dma_wait3A_659 = tpu.memref_slice %arg4[%dma_wait3A_652, %add3A_80, %dma_wait3A_657, %dma_wait3A_658] : memref<8x64x64x384xf32, #tpu.memory_space<hbm>> -> memref<1x1x64x192xf32, #tpu.memory_space<hbm>>
    %dma_wait3A_660 = tpu.memref_squeeze %dma_wait3A_659 : memref<1x1x64x192xf32, #tpu.memory_space<hbm>> -> memref<64x192xf32, #tpu.memory_space<hbm>>
    tpu.wait_dma2 semaphore(%arg8 : memref<!tpu.dma_semaphore, #tpu.memory_space<semaphore_mem>>) src(%arg5 : memref<64x192xf32, #tpu.memory_space<vmem>>) dst(%dma_wait3A_660 : memref<64x192xf32, #tpu.memory_space<hbm>>)
    %dma_wait3A_661 = arith.constant 0 : i32
    %dma_wait3A_662 = arith.constant 5 : i32
    %dma_wait3A_663 = arith.constant 0 : i32
    %dma_wait3A_664 = arith.constant 0 : i32
    %dma_wait3A_665 = tpu.memref_slice %arg6[%dma_wait3A_661, %dma_wait3A_663, %dma_wait3A_664] : memref<2x64x192xf32, #tpu.memory_space<vmem>> -> memref<1x64x192xf32, #tpu.memory_space<vmem>>
    %dma_wait3A_666 = tpu.memref_squeeze %dma_wait3A_665 : memref<1x64x192xf32, #tpu.memory_space<vmem>> -> memref<64x192xf32, #tpu.memory_space<vmem>>
    %dma_wait3A_667 = arith.constant 0 : i32
    %dma_wait3A_668 = arith.constant 192 : i32
    %dma_wait3A_669 = tpu.memref_slice %arg4[%dma_wait3A_662, %add3A_80, %dma_wait3A_667, %dma_wait3A_668] : memref<8x64x64x384xf32, #tpu.memory_space<hbm>> -> memref<1x1x64x192xf32, #tpu.memory_space<hbm>>
    %dma_wait3A_670 = tpu.memref_squeeze %dma_wait3A_669 : memref<1x1x64x192xf32, #tpu.memory_space<hbm>> -> memref<64x192xf32, #tpu.memory_space<hbm>>
    %dma_wait3A_671 = arith.constant 0 : i32
    %dma_wait3A_672 = arith.constant 192 : i32
    %dma_wait3A_673 = tpu.memref_slice %arg4[%dma_wait3A_662, %add3A_80, %dma_wait3A_671, %dma_wait3A_672] : memref<8x64x64x384xf32, #tpu.memory_space<hbm>> -> memref<1x1x64x192xf32, #tpu.memory_space<hbm>>
    %dma_wait3A_674 = tpu.memref_squeeze %dma_wait3A_673 : memref<1x1x64x192xf32, #tpu.memory_space<hbm>> -> memref<64x192xf32, #tpu.memory_space<hbm>>
    %dma_wait3A_675 = arith.constant 0 : i32
    %dma_wait3A_676 = arith.constant 0 : i32
    %dma_wait3A_677 = tpu.memref_slice %arg6[%dma_wait3A_661, %dma_wait3A_675, %dma_wait3A_676] : memref<2x64x192xf32, #tpu.memory_space<vmem>> -> memref<1x64x192xf32, #tpu.memory_space<vmem>>
    %dma_wait3A_678 = tpu.memref_squeeze %dma_wait3A_677 : memref<1x64x192xf32, #tpu.memory_space<vmem>> -> memref<64x192xf32, #tpu.memory_space<vmem>>
    tpu.wait_dma2 semaphore(%arg8 : memref<!tpu.dma_semaphore, #tpu.memory_space<semaphore_mem>>) src(%dma_wait3A_678 : memref<64x192xf32, #tpu.memory_space<vmem>>) dst(%dma_wait3A_674 : memref<64x192xf32, #tpu.memory_space<hbm>>)
    %dma_wait3A_679 = arith.constant 6 : i32
    %dma_wait3A_680 = arith.constant 0 : i32
    %dma_wait3A_681 = arith.constant 0 : i32
    %dma_wait3A_682 = tpu.memref_slice %arg4[%dma_wait3A_679, %add3A_80, %dma_wait3A_680, %dma_wait3A_681] : memref<8x64x64x384xf32, #tpu.memory_space<hbm>> -> memref<1x1x64x192xf32, #tpu.memory_space<hbm>>
    %dma_wait3A_683 = tpu.memref_squeeze %dma_wait3A_682 : memref<1x1x64x192xf32, #tpu.memory_space<hbm>> -> memref<64x192xf32, #tpu.memory_space<hbm>>
    %dma_wait3A_684 = arith.constant 0 : i32
    %dma_wait3A_685 = arith.constant 0 : i32
    %dma_wait3A_686 = tpu.memref_slice %arg4[%dma_wait3A_679, %add3A_80, %dma_wait3A_684, %dma_wait3A_685] : memref<8x64x64x384xf32, #tpu.memory_space<hbm>> -> memref<1x1x64x192xf32, #tpu.memory_space<hbm>>
    %dma_wait3A_687 = tpu.memref_squeeze %dma_wait3A_686 : memref<1x1x64x192xf32, #tpu.memory_space<hbm>> -> memref<64x192xf32, #tpu.memory_space<hbm>>
    tpu.wait_dma2 semaphore(%arg8 : memref<!tpu.dma_semaphore, #tpu.memory_space<semaphore_mem>>) src(%arg5 : memref<64x192xf32, #tpu.memory_space<vmem>>) dst(%dma_wait3A_687 : memref<64x192xf32, #tpu.memory_space<hbm>>)
    %dma_wait3A_688 = arith.constant 0 : i32
    %dma_wait3A_689 = arith.constant 6 : i32
    %dma_wait3A_690 = arith.constant 0 : i32
    %dma_wait3A_691 = arith.constant 0 : i32
    %dma_wait3A_692 = tpu.memref_slice %arg6[%dma_wait3A_688, %dma_wait3A_690, %dma_wait3A_691] : memref<2x64x192xf32, #tpu.memory_space<vmem>> -> memref<1x64x192xf32, #tpu.memory_space<vmem>>
    %dma_wait3A_693 = tpu.memref_squeeze %dma_wait3A_692 : memref<1x64x192xf32, #tpu.memory_space<vmem>> -> memref<64x192xf32, #tpu.memory_space<vmem>>
    %dma_wait3A_694 = arith.constant 0 : i32
    %dma_wait3A_695 = arith.constant 192 : i32
    %dma_wait3A_696 = tpu.memref_slice %arg4[%dma_wait3A_689, %add3A_80, %dma_wait3A_694, %dma_wait3A_695] : memref<8x64x64x384xf32, #tpu.memory_space<hbm>> -> memref<1x1x64x192xf32, #tpu.memory_space<hbm>>
    %dma_wait3A_697 = tpu.memref_squeeze %dma_wait3A_696 : memref<1x1x64x192xf32, #tpu.memory_space<hbm>> -> memref<64x192xf32, #tpu.memory_space<hbm>>
    %dma_wait3A_698 = arith.constant 0 : i32
    %dma_wait3A_699 = arith.constant 192 : i32
    %dma_wait3A_700 = tpu.memref_slice %arg4[%dma_wait3A_689, %add3A_80, %dma_wait3A_698, %dma_wait3A_699] : memref<8x64x64x384xf32, #tpu.memory_space<hbm>> -> memref<1x1x64x192xf32, #tpu.memory_space<hbm>>
    %dma_wait3A_701 = tpu.memref_squeeze %dma_wait3A_700 : memref<1x1x64x192xf32, #tpu.memory_space<hbm>> -> memref<64x192xf32, #tpu.memory_space<hbm>>
    %dma_wait3A_702 = arith.constant 0 : i32
    %dma_wait3A_703 = arith.constant 0 : i32
    %dma_wait3A_704 = tpu.memref_slice %arg6[%dma_wait3A_688, %dma_wait3A_702, %dma_wait3A_703] : memref<2x64x192xf32, #tpu.memory_space<vmem>> -> memref<1x64x192xf32, #tpu.memory_space<vmem>>
    %dma_wait3A_705 = tpu.memref_squeeze %dma_wait3A_704 : memref<1x64x192xf32, #tpu.memory_space<vmem>> -> memref<64x192xf32, #tpu.memory_space<vmem>>
    tpu.wait_dma2 semaphore(%arg8 : memref<!tpu.dma_semaphore, #tpu.memory_space<semaphore_mem>>) src(%dma_wait3A_705 : memref<64x192xf32, #tpu.memory_space<vmem>>) dst(%dma_wait3A_701 : memref<64x192xf32, #tpu.memory_space<hbm>>)
    %dma_wait3A_706 = arith.constant 7 : i32
    %dma_wait3A_707 = arith.constant 0 : i32
    %dma_wait3A_708 = arith.constant 0 : i32
    %dma_wait3A_709 = tpu.memref_slice %arg4[%dma_wait3A_706, %add3A_80, %dma_wait3A_707, %dma_wait3A_708] : memref<8x64x64x384xf32, #tpu.memory_space<hbm>> -> memref<1x1x64x192xf32, #tpu.memory_space<hbm>>
    %dma_wait3A_710 = tpu.memref_squeeze %dma_wait3A_709 : memref<1x1x64x192xf32, #tpu.memory_space<hbm>> -> memref<64x192xf32, #tpu.memory_space<hbm>>
    %dma_wait3A_711 = arith.constant 0 : i32
    %dma_wait3A_712 = arith.constant 0 : i32
    %dma_wait3A_713 = tpu.memref_slice %arg4[%dma_wait3A_706, %add3A_80, %dma_wait3A_711, %dma_wait3A_712] : memref<8x64x64x384xf32, #tpu.memory_space<hbm>> -> memref<1x1x64x192xf32, #tpu.memory_space<hbm>>
    %dma_wait3A_714 = tpu.memref_squeeze %dma_wait3A_713 : memref<1x1x64x192xf32, #tpu.memory_space<hbm>> -> memref<64x192xf32, #tpu.memory_space<hbm>>
    tpu.wait_dma2 semaphore(%arg8 : memref<!tpu.dma_semaphore, #tpu.memory_space<semaphore_mem>>) src(%arg5 : memref<64x192xf32, #tpu.memory_space<vmem>>) dst(%dma_wait3A_714 : memref<64x192xf32, #tpu.memory_space<hbm>>)
    %dma_wait3A_715 = arith.constant 0 : i32
    %dma_wait3A_716 = arith.constant 7 : i32
    %dma_wait3A_717 = arith.constant 0 : i32
    %dma_wait3A_718 = arith.constant 0 : i32
    %dma_wait3A_719 = tpu.memref_slice %arg6[%dma_wait3A_715, %dma_wait3A_717, %dma_wait3A_718] : memref<2x64x192xf32, #tpu.memory_space<vmem>> -> memref<1x64x192xf32, #tpu.memory_space<vmem>>
    %dma_wait3A_720 = tpu.memref_squeeze %dma_wait3A_719 : memref<1x64x192xf32, #tpu.memory_space<vmem>> -> memref<64x192xf32, #tpu.memory_space<vmem>>
    %dma_wait3A_721 = arith.constant 0 : i32
    %dma_wait3A_722 = arith.constant 192 : i32
    %dma_wait3A_723 = tpu.memref_slice %arg4[%dma_wait3A_716, %add3A_80, %dma_wait3A_721, %dma_wait3A_722] : memref<8x64x64x384xf32, #tpu.memory_space<hbm>> -> memref<1x1x64x192xf32, #tpu.memory_space<hbm>>
    %dma_wait3A_724 = tpu.memref_squeeze %dma_wait3A_723 : memref<1x1x64x192xf32, #tpu.memory_space<hbm>> -> memref<64x192xf32, #tpu.memory_space<hbm>>
    %dma_wait3A_725 = arith.constant 0 : i32
    %dma_wait3A_726 = arith.constant 192 : i32
    %dma_wait3A_727 = tpu.memref_slice %arg4[%dma_wait3A_716, %add3A_80, %dma_wait3A_725, %dma_wait3A_726] : memref<8x64x64x384xf32, #tpu.memory_space<hbm>> -> memref<1x1x64x192xf32, #tpu.memory_space<hbm>>
    %dma_wait3A_728 = tpu.memref_squeeze %dma_wait3A_727 : memref<1x1x64x192xf32, #tpu.memory_space<hbm>> -> memref<64x192xf32, #tpu.memory_space<hbm>>
    %dma_wait3A_729 = arith.constant 0 : i32
    %dma_wait3A_730 = arith.constant 0 : i32
    %dma_wait3A_731 = tpu.memref_slice %arg6[%dma_wait3A_715, %dma_wait3A_729, %dma_wait3A_730] : memref<2x64x192xf32, #tpu.memory_space<vmem>> -> memref<1x64x192xf32, #tpu.memory_space<vmem>>
    %dma_wait3A_732 = tpu.memref_squeeze %dma_wait3A_731 : memref<1x64x192xf32, #tpu.memory_space<vmem>> -> memref<64x192xf32, #tpu.memory_space<vmem>>
    tpu.wait_dma2 semaphore(%arg8 : memref<!tpu.dma_semaphore, #tpu.memory_space<semaphore_mem>>) src(%dma_wait3A_732 : memref<64x192xf32, #tpu.memory_space<vmem>>) dst(%dma_wait3A_728 : memref<64x192xf32, #tpu.memory_space<hbm>>)
    %dma_wait3A_733 = arith.constant 0 : i32
    %dma_wait3A_734 = arith.constant 0 : i32
    %dma_wait3A_735 = arith.constant 0 : i32
    %dma_wait3A_736 = tpu.memref_slice %arg4[%dma_wait3A_733, %add3A_300, %dma_wait3A_734, %dma_wait3A_735] : memref<8x64x64x384xf32, #tpu.memory_space<hbm>> -> memref<1x1x64x192xf32, #tpu.memory_space<hbm>>
    %dma_wait3A_737 = tpu.memref_squeeze %dma_wait3A_736 : memref<1x1x64x192xf32, #tpu.memory_space<hbm>> -> memref<64x192xf32, #tpu.memory_space<hbm>>
    %dma_wait3A_738 = arith.constant 0 : i32
    %dma_wait3A_739 = arith.constant 0 : i32
    %dma_wait3A_740 = tpu.memref_slice %arg4[%dma_wait3A_733, %add3A_300, %dma_wait3A_738, %dma_wait3A_739] : memref<8x64x64x384xf32, #tpu.memory_space<hbm>> -> memref<1x1x64x192xf32, #tpu.memory_space<hbm>>
    %dma_wait3A_741 = tpu.memref_squeeze %dma_wait3A_740 : memref<1x1x64x192xf32, #tpu.memory_space<hbm>> -> memref<64x192xf32, #tpu.memory_space<hbm>>
    tpu.wait_dma2 semaphore(%arg8 : memref<!tpu.dma_semaphore, #tpu.memory_space<semaphore_mem>>) src(%arg5 : memref<64x192xf32, #tpu.memory_space<vmem>>) dst(%dma_wait3A_741 : memref<64x192xf32, #tpu.memory_space<hbm>>)
    %dma_wait3A_742 = arith.constant 1 : i32
    %dma_wait3A_743 = arith.constant 0 : i32
    %dma_wait3A_744 = arith.constant 0 : i32
    %dma_wait3A_745 = arith.constant 0 : i32
    %dma_wait3A_746 = tpu.memref_slice %arg6[%dma_wait3A_742, %dma_wait3A_744, %dma_wait3A_745] : memref<2x64x192xf32, #tpu.memory_space<vmem>> -> memref<1x64x192xf32, #tpu.memory_space<vmem>>
    %dma_wait3A_747 = tpu.memref_squeeze %dma_wait3A_746 : memref<1x64x192xf32, #tpu.memory_space<vmem>> -> memref<64x192xf32, #tpu.memory_space<vmem>>
    %dma_wait3A_748 = arith.constant 0 : i32
    %dma_wait3A_749 = arith.constant 192 : i32
    %dma_wait3A_750 = tpu.memref_slice %arg4[%dma_wait3A_743, %add3A_300, %dma_wait3A_748, %dma_wait3A_749] : memref<8x64x64x384xf32, #tpu.memory_space<hbm>> -> memref<1x1x64x192xf32, #tpu.memory_space<hbm>>
    %dma_wait3A_751 = tpu.memref_squeeze %dma_wait3A_750 : memref<1x1x64x192xf32, #tpu.memory_space<hbm>> -> memref<64x192xf32, #tpu.memory_space<hbm>>
    %dma_wait3A_752 = arith.constant 0 : i32
    %dma_wait3A_753 = arith.constant 192 : i32
    %dma_wait3A_754 = tpu.memref_slice %arg4[%dma_wait3A_743, %add3A_300, %dma_wait3A_752, %dma_wait3A_753] : memref<8x64x64x384xf32, #tpu.memory_space<hbm>> -> memref<1x1x64x192xf32, #tpu.memory_space<hbm>>
    %dma_wait3A_755 = tpu.memref_squeeze %dma_wait3A_754 : memref<1x1x64x192xf32, #tpu.memory_space<hbm>> -> memref<64x192xf32, #tpu.memory_space<hbm>>
    %dma_wait3A_756 = arith.constant 0 : i32
    %dma_wait3A_757 = arith.constant 0 : i32
    %dma_wait3A_758 = tpu.memref_slice %arg6[%dma_wait3A_742, %dma_wait3A_756, %dma_wait3A_757] : memref<2x64x192xf32, #tpu.memory_space<vmem>> -> memref<1x64x192xf32, #tpu.memory_space<vmem>>
    %dma_wait3A_759 = tpu.memref_squeeze %dma_wait3A_758 : memref<1x64x192xf32, #tpu.memory_space<vmem>> -> memref<64x192xf32, #tpu.memory_space<vmem>>
    tpu.wait_dma2 semaphore(%arg8 : memref<!tpu.dma_semaphore, #tpu.memory_space<semaphore_mem>>) src(%dma_wait3A_759 : memref<64x192xf32, #tpu.memory_space<vmem>>) dst(%dma_wait3A_755 : memref<64x192xf32, #tpu.memory_space<hbm>>)
    %dma_wait3A_760 = arith.constant 1 : i32
    %dma_wait3A_761 = arith.constant 0 : i32
    %dma_wait3A_762 = arith.constant 0 : i32
    %dma_wait3A_763 = tpu.memref_slice %arg4[%dma_wait3A_760, %add3A_300, %dma_wait3A_761, %dma_wait3A_762] : memref<8x64x64x384xf32, #tpu.memory_space<hbm>> -> memref<1x1x64x192xf32, #tpu.memory_space<hbm>>
    %dma_wait3A_764 = tpu.memref_squeeze %dma_wait3A_763 : memref<1x1x64x192xf32, #tpu.memory_space<hbm>> -> memref<64x192xf32, #tpu.memory_space<hbm>>
    %dma_wait3A_765 = arith.constant 0 : i32
    %dma_wait3A_766 = arith.constant 0 : i32
    %dma_wait3A_767 = tpu.memref_slice %arg4[%dma_wait3A_760, %add3A_300, %dma_wait3A_765, %dma_wait3A_766] : memref<8x64x64x384xf32, #tpu.memory_space<hbm>> -> memref<1x1x64x192xf32, #tpu.memory_space<hbm>>
    %dma_wait3A_768 = tpu.memref_squeeze %dma_wait3A_767 : memref<1x1x64x192xf32, #tpu.memory_space<hbm>> -> memref<64x192xf32, #tpu.memory_space<hbm>>
    tpu.wait_dma2 semaphore(%arg8 : memref<!tpu.dma_semaphore, #tpu.memory_space<semaphore_mem>>) src(%arg5 : memref<64x192xf32, #tpu.memory_space<vmem>>) dst(%dma_wait3A_768 : memref<64x192xf32, #tpu.memory_space<hbm>>)
    %dma_wait3A_769 = arith.constant 1 : i32
    %dma_wait3A_770 = arith.constant 1 : i32
    %dma_wait3A_771 = arith.constant 0 : i32
    %dma_wait3A_772 = arith.constant 0 : i32
    %dma_wait3A_773 = tpu.memref_slice %arg6[%dma_wait3A_769, %dma_wait3A_771, %dma_wait3A_772] : memref<2x64x192xf32, #tpu.memory_space<vmem>> -> memref<1x64x192xf32, #tpu.memory_space<vmem>>
    %dma_wait3A_774 = tpu.memref_squeeze %dma_wait3A_773 : memref<1x64x192xf32, #tpu.memory_space<vmem>> -> memref<64x192xf32, #tpu.memory_space<vmem>>
    %dma_wait3A_775 = arith.constant 0 : i32
    %dma_wait3A_776 = arith.constant 192 : i32
    %dma_wait3A_777 = tpu.memref_slice %arg4[%dma_wait3A_770, %add3A_300, %dma_wait3A_775, %dma_wait3A_776] : memref<8x64x64x384xf32, #tpu.memory_space<hbm>> -> memref<1x1x64x192xf32, #tpu.memory_space<hbm>>
    %dma_wait3A_778 = tpu.memref_squeeze %dma_wait3A_777 : memref<1x1x64x192xf32, #tpu.memory_space<hbm>> -> memref<64x192xf32, #tpu.memory_space<hbm>>
    %dma_wait3A_779 = arith.constant 0 : i32
    %dma_wait3A_780 = arith.constant 192 : i32
    %dma_wait3A_781 = tpu.memref_slice %arg4[%dma_wait3A_770, %add3A_300, %dma_wait3A_779, %dma_wait3A_780] : memref<8x64x64x384xf32, #tpu.memory_space<hbm>> -> memref<1x1x64x192xf32, #tpu.memory_space<hbm>>
    %dma_wait3A_782 = tpu.memref_squeeze %dma_wait3A_781 : memref<1x1x64x192xf32, #tpu.memory_space<hbm>> -> memref<64x192xf32, #tpu.memory_space<hbm>>
    %dma_wait3A_783 = arith.constant 0 : i32
    %dma_wait3A_784 = arith.constant 0 : i32
    %dma_wait3A_785 = tpu.memref_slice %arg6[%dma_wait3A_769, %dma_wait3A_783, %dma_wait3A_784] : memref<2x64x192xf32, #tpu.memory_space<vmem>> -> memref<1x64x192xf32, #tpu.memory_space<vmem>>
    %dma_wait3A_786 = tpu.memref_squeeze %dma_wait3A_785 : memref<1x64x192xf32, #tpu.memory_space<vmem>> -> memref<64x192xf32, #tpu.memory_space<vmem>>
    tpu.wait_dma2 semaphore(%arg8 : memref<!tpu.dma_semaphore, #tpu.memory_space<semaphore_mem>>) src(%dma_wait3A_786 : memref<64x192xf32, #tpu.memory_space<vmem>>) dst(%dma_wait3A_782 : memref<64x192xf32, #tpu.memory_space<hbm>>)
    %dma_wait3A_787 = arith.constant 2 : i32
    %dma_wait3A_788 = arith.constant 0 : i32
    %dma_wait3A_789 = arith.constant 0 : i32
    %dma_wait3A_790 = tpu.memref_slice %arg4[%dma_wait3A_787, %add3A_300, %dma_wait3A_788, %dma_wait3A_789] : memref<8x64x64x384xf32, #tpu.memory_space<hbm>> -> memref<1x1x64x192xf32, #tpu.memory_space<hbm>>
    %dma_wait3A_791 = tpu.memref_squeeze %dma_wait3A_790 : memref<1x1x64x192xf32, #tpu.memory_space<hbm>> -> memref<64x192xf32, #tpu.memory_space<hbm>>
    %dma_wait3A_792 = arith.constant 0 : i32
    %dma_wait3A_793 = arith.constant 0 : i32
    %dma_wait3A_794 = tpu.memref_slice %arg4[%dma_wait3A_787, %add3A_300, %dma_wait3A_792, %dma_wait3A_793] : memref<8x64x64x384xf32, #tpu.memory_space<hbm>> -> memref<1x1x64x192xf32, #tpu.memory_space<hbm>>
    %dma_wait3A_795 = tpu.memref_squeeze %dma_wait3A_794 : memref<1x1x64x192xf32, #tpu.memory_space<hbm>> -> memref<64x192xf32, #tpu.memory_space<hbm>>
    tpu.wait_dma2 semaphore(%arg8 : memref<!tpu.dma_semaphore, #tpu.memory_space<semaphore_mem>>) src(%arg5 : memref<64x192xf32, #tpu.memory_space<vmem>>) dst(%dma_wait3A_795 : memref<64x192xf32, #tpu.memory_space<hbm>>)
    %dma_wait3A_796 = arith.constant 1 : i32
    %dma_wait3A_797 = arith.constant 2 : i32
    %dma_wait3A_798 = arith.constant 0 : i32
    %dma_wait3A_799 = arith.constant 0 : i32
    %dma_wait3A_800 = tpu.memref_slice %arg6[%dma_wait3A_796, %dma_wait3A_798, %dma_wait3A_799] : memref<2x64x192xf32, #tpu.memory_space<vmem>> -> memref<1x64x192xf32, #tpu.memory_space<vmem>>
    %dma_wait3A_801 = tpu.memref_squeeze %dma_wait3A_800 : memref<1x64x192xf32, #tpu.memory_space<vmem>> -> memref<64x192xf32, #tpu.memory_space<vmem>>
    %dma_wait3A_802 = arith.constant 0 : i32
    %dma_wait3A_803 = arith.constant 192 : i32
    %dma_wait3A_804 = tpu.memref_slice %arg4[%dma_wait3A_797, %add3A_300, %dma_wait3A_802, %dma_wait3A_803] : memref<8x64x64x384xf32, #tpu.memory_space<hbm>> -> memref<1x1x64x192xf32, #tpu.memory_space<hbm>>
    %dma_wait3A_805 = tpu.memref_squeeze %dma_wait3A_804 : memref<1x1x64x192xf32, #tpu.memory_space<hbm>> -> memref<64x192xf32, #tpu.memory_space<hbm>>
    %dma_wait3A_806 = arith.constant 0 : i32
    %dma_wait3A_807 = arith.constant 192 : i32
    %dma_wait3A_808 = tpu.memref_slice %arg4[%dma_wait3A_797, %add3A_300, %dma_wait3A_806, %dma_wait3A_807] : memref<8x64x64x384xf32, #tpu.memory_space<hbm>> -> memref<1x1x64x192xf32, #tpu.memory_space<hbm>>
    %dma_wait3A_809 = tpu.memref_squeeze %dma_wait3A_808 : memref<1x1x64x192xf32, #tpu.memory_space<hbm>> -> memref<64x192xf32, #tpu.memory_space<hbm>>
    %dma_wait3A_810 = arith.constant 0 : i32
    %dma_wait3A_811 = arith.constant 0 : i32
    %dma_wait3A_812 = tpu.memref_slice %arg6[%dma_wait3A_796, %dma_wait3A_810, %dma_wait3A_811] : memref<2x64x192xf32, #tpu.memory_space<vmem>> -> memref<1x64x192xf32, #tpu.memory_space<vmem>>
    %dma_wait3A_813 = tpu.memref_squeeze %dma_wait3A_812 : memref<1x64x192xf32, #tpu.memory_space<vmem>> -> memref<64x192xf32, #tpu.memory_space<vmem>>
    tpu.wait_dma2 semaphore(%arg8 : memref<!tpu.dma_semaphore, #tpu.memory_space<semaphore_mem>>) src(%dma_wait3A_813 : memref<64x192xf32, #tpu.memory_space<vmem>>) dst(%dma_wait3A_809 : memref<64x192xf32, #tpu.memory_space<hbm>>)
    %dma_wait3A_814 = arith.constant 3 : i32
    %dma_wait3A_815 = arith.constant 0 : i32
    %dma_wait3A_816 = arith.constant 0 : i32
    %dma_wait3A_817 = tpu.memref_slice %arg4[%dma_wait3A_814, %add3A_300, %dma_wait3A_815, %dma_wait3A_816] : memref<8x64x64x384xf32, #tpu.memory_space<hbm>> -> memref<1x1x64x192xf32, #tpu.memory_space<hbm>>
    %dma_wait3A_818 = tpu.memref_squeeze %dma_wait3A_817 : memref<1x1x64x192xf32, #tpu.memory_space<hbm>> -> memref<64x192xf32, #tpu.memory_space<hbm>>
    %dma_wait3A_819 = arith.constant 0 : i32
    %dma_wait3A_820 = arith.constant 0 : i32
    %dma_wait3A_821 = tpu.memref_slice %arg4[%dma_wait3A_814, %add3A_300, %dma_wait3A_819, %dma_wait3A_820] : memref<8x64x64x384xf32, #tpu.memory_space<hbm>> -> memref<1x1x64x192xf32, #tpu.memory_space<hbm>>
    %dma_wait3A_822 = tpu.memref_squeeze %dma_wait3A_821 : memref<1x1x64x192xf32, #tpu.memory_space<hbm>> -> memref<64x192xf32, #tpu.memory_space<hbm>>
    tpu.wait_dma2 semaphore(%arg8 : memref<!tpu.dma_semaphore, #tpu.memory_space<semaphore_mem>>) src(%arg5 : memref<64x192xf32, #tpu.memory_space<vmem>>) dst(%dma_wait3A_822 : memref<64x192xf32, #tpu.memory_space<hbm>>)
    %dma_wait3A_823 = arith.constant 1 : i32
    %dma_wait3A_824 = arith.constant 3 : i32
    %dma_wait3A_825 = arith.constant 0 : i32
    %dma_wait3A_826 = arith.constant 0 : i32
    %dma_wait3A_827 = tpu.memref_slice %arg6[%dma_wait3A_823, %dma_wait3A_825, %dma_wait3A_826] : memref<2x64x192xf32, #tpu.memory_space<vmem>> -> memref<1x64x192xf32, #tpu.memory_space<vmem>>
    %dma_wait3A_828 = tpu.memref_squeeze %dma_wait3A_827 : memref<1x64x192xf32, #tpu.memory_space<vmem>> -> memref<64x192xf32, #tpu.memory_space<vmem>>
    %dma_wait3A_829 = arith.constant 0 : i32
    %dma_wait3A_830 = arith.constant 192 : i32
    %dma_wait3A_831 = tpu.memref_slice %arg4[%dma_wait3A_824, %add3A_300, %dma_wait3A_829, %dma_wait3A_830] : memref<8x64x64x384xf32, #tpu.memory_space<hbm>> -> memref<1x1x64x192xf32, #tpu.memory_space<hbm>>
    %dma_wait3A_832 = tpu.memref_squeeze %dma_wait3A_831 : memref<1x1x64x192xf32, #tpu.memory_space<hbm>> -> memref<64x192xf32, #tpu.memory_space<hbm>>
    %dma_wait3A_833 = arith.constant 0 : i32
    %dma_wait3A_834 = arith.constant 192 : i32
    %dma_wait3A_835 = tpu.memref_slice %arg4[%dma_wait3A_824, %add3A_300, %dma_wait3A_833, %dma_wait3A_834] : memref<8x64x64x384xf32, #tpu.memory_space<hbm>> -> memref<1x1x64x192xf32, #tpu.memory_space<hbm>>
    %dma_wait3A_836 = tpu.memref_squeeze %dma_wait3A_835 : memref<1x1x64x192xf32, #tpu.memory_space<hbm>> -> memref<64x192xf32, #tpu.memory_space<hbm>>
    %dma_wait3A_837 = arith.constant 0 : i32
    %dma_wait3A_838 = arith.constant 0 : i32
    %dma_wait3A_839 = tpu.memref_slice %arg6[%dma_wait3A_823, %dma_wait3A_837, %dma_wait3A_838] : memref<2x64x192xf32, #tpu.memory_space<vmem>> -> memref<1x64x192xf32, #tpu.memory_space<vmem>>
    %dma_wait3A_840 = tpu.memref_squeeze %dma_wait3A_839 : memref<1x64x192xf32, #tpu.memory_space<vmem>> -> memref<64x192xf32, #tpu.memory_space<vmem>>
    tpu.wait_dma2 semaphore(%arg8 : memref<!tpu.dma_semaphore, #tpu.memory_space<semaphore_mem>>) src(%dma_wait3A_840 : memref<64x192xf32, #tpu.memory_space<vmem>>) dst(%dma_wait3A_836 : memref<64x192xf32, #tpu.memory_space<hbm>>)
    %dma_wait3A_841 = arith.constant 4 : i32
    %dma_wait3A_842 = arith.constant 0 : i32
    %dma_wait3A_843 = arith.constant 0 : i32
    %dma_wait3A_844 = tpu.memref_slice %arg4[%dma_wait3A_841, %add3A_300, %dma_wait3A_842, %dma_wait3A_843] : memref<8x64x64x384xf32, #tpu.memory_space<hbm>> -> memref<1x1x64x192xf32, #tpu.memory_space<hbm>>
    %dma_wait3A_845 = tpu.memref_squeeze %dma_wait3A_844 : memref<1x1x64x192xf32, #tpu.memory_space<hbm>> -> memref<64x192xf32, #tpu.memory_space<hbm>>
    %dma_wait3A_846 = arith.constant 0 : i32
    %dma_wait3A_847 = arith.constant 0 : i32
    %dma_wait3A_848 = tpu.memref_slice %arg4[%dma_wait3A_841, %add3A_300, %dma_wait3A_846, %dma_wait3A_847] : memref<8x64x64x384xf32, #tpu.memory_space<hbm>> -> memref<1x1x64x192xf32, #tpu.memory_space<hbm>>
    %dma_wait3A_849 = tpu.memref_squeeze %dma_wait3A_848 : memref<1x1x64x192xf32, #tpu.memory_space<hbm>> -> memref<64x192xf32, #tpu.memory_space<hbm>>
    tpu.wait_dma2 semaphore(%arg8 : memref<!tpu.dma_semaphore, #tpu.memory_space<semaphore_mem>>) src(%arg5 : memref<64x192xf32, #tpu.memory_space<vmem>>) dst(%dma_wait3A_849 : memref<64x192xf32, #tpu.memory_space<hbm>>)
    %dma_wait3A_850 = arith.constant 1 : i32
    %dma_wait3A_851 = arith.constant 4 : i32
    %dma_wait3A_852 = arith.constant 0 : i32
    %dma_wait3A_853 = arith.constant 0 : i32
    %dma_wait3A_854 = tpu.memref_slice %arg6[%dma_wait3A_850, %dma_wait3A_852, %dma_wait3A_853] : memref<2x64x192xf32, #tpu.memory_space<vmem>> -> memref<1x64x192xf32, #tpu.memory_space<vmem>>
    %dma_wait3A_855 = tpu.memref_squeeze %dma_wait3A_854 : memref<1x64x192xf32, #tpu.memory_space<vmem>> -> memref<64x192xf32, #tpu.memory_space<vmem>>
    %dma_wait3A_856 = arith.constant 0 : i32
    %dma_wait3A_857 = arith.constant 192 : i32
    %dma_wait3A_858 = tpu.memref_slice %arg4[%dma_wait3A_851, %add3A_300, %dma_wait3A_856, %dma_wait3A_857] : memref<8x64x64x384xf32, #tpu.memory_space<hbm>> -> memref<1x1x64x192xf32, #tpu.memory_space<hbm>>
    %dma_wait3A_859 = tpu.memref_squeeze %dma_wait3A_858 : memref<1x1x64x192xf32, #tpu.memory_space<hbm>> -> memref<64x192xf32, #tpu.memory_space<hbm>>
    %dma_wait3A_860 = arith.constant 0 : i32
    %dma_wait3A_861 = arith.constant 192 : i32
    %dma_wait3A_862 = tpu.memref_slice %arg4[%dma_wait3A_851, %add3A_300, %dma_wait3A_860, %dma_wait3A_861] : memref<8x64x64x384xf32, #tpu.memory_space<hbm>> -> memref<1x1x64x192xf32, #tpu.memory_space<hbm>>
    %dma_wait3A_863 = tpu.memref_squeeze %dma_wait3A_862 : memref<1x1x64x192xf32, #tpu.memory_space<hbm>> -> memref<64x192xf32, #tpu.memory_space<hbm>>
    %dma_wait3A_864 = arith.constant 0 : i32
    %dma_wait3A_865 = arith.constant 0 : i32
    %dma_wait3A_866 = tpu.memref_slice %arg6[%dma_wait3A_850, %dma_wait3A_864, %dma_wait3A_865] : memref<2x64x192xf32, #tpu.memory_space<vmem>> -> memref<1x64x192xf32, #tpu.memory_space<vmem>>
    %dma_wait3A_867 = tpu.memref_squeeze %dma_wait3A_866 : memref<1x64x192xf32, #tpu.memory_space<vmem>> -> memref<64x192xf32, #tpu.memory_space<vmem>>
    tpu.wait_dma2 semaphore(%arg8 : memref<!tpu.dma_semaphore, #tpu.memory_space<semaphore_mem>>) src(%dma_wait3A_867 : memref<64x192xf32, #tpu.memory_space<vmem>>) dst(%dma_wait3A_863 : memref<64x192xf32, #tpu.memory_space<hbm>>)
    %dma_wait3A_868 = arith.constant 5 : i32
    %dma_wait3A_869 = arith.constant 0 : i32
    %dma_wait3A_870 = arith.constant 0 : i32
    %dma_wait3A_871 = tpu.memref_slice %arg4[%dma_wait3A_868, %add3A_300, %dma_wait3A_869, %dma_wait3A_870] : memref<8x64x64x384xf32, #tpu.memory_space<hbm>> -> memref<1x1x64x192xf32, #tpu.memory_space<hbm>>
    %dma_wait3A_872 = tpu.memref_squeeze %dma_wait3A_871 : memref<1x1x64x192xf32, #tpu.memory_space<hbm>> -> memref<64x192xf32, #tpu.memory_space<hbm>>
    %dma_wait3A_873 = arith.constant 0 : i32
    %dma_wait3A_874 = arith.constant 0 : i32
    %dma_wait3A_875 = tpu.memref_slice %arg4[%dma_wait3A_868, %add3A_300, %dma_wait3A_873, %dma_wait3A_874] : memref<8x64x64x384xf32, #tpu.memory_space<hbm>> -> memref<1x1x64x192xf32, #tpu.memory_space<hbm>>
    %dma_wait3A_876 = tpu.memref_squeeze %dma_wait3A_875 : memref<1x1x64x192xf32, #tpu.memory_space<hbm>> -> memref<64x192xf32, #tpu.memory_space<hbm>>
    tpu.wait_dma2 semaphore(%arg8 : memref<!tpu.dma_semaphore, #tpu.memory_space<semaphore_mem>>) src(%arg5 : memref<64x192xf32, #tpu.memory_space<vmem>>) dst(%dma_wait3A_876 : memref<64x192xf32, #tpu.memory_space<hbm>>)
    %dma_wait3A_877 = arith.constant 1 : i32
    %dma_wait3A_878 = arith.constant 5 : i32
    %dma_wait3A_879 = arith.constant 0 : i32
    %dma_wait3A_880 = arith.constant 0 : i32
    %dma_wait3A_881 = tpu.memref_slice %arg6[%dma_wait3A_877, %dma_wait3A_879, %dma_wait3A_880] : memref<2x64x192xf32, #tpu.memory_space<vmem>> -> memref<1x64x192xf32, #tpu.memory_space<vmem>>
    %dma_wait3A_882 = tpu.memref_squeeze %dma_wait3A_881 : memref<1x64x192xf32, #tpu.memory_space<vmem>> -> memref<64x192xf32, #tpu.memory_space<vmem>>
    %dma_wait3A_883 = arith.constant 0 : i32
    %dma_wait3A_884 = arith.constant 192 : i32
    %dma_wait3A_885 = tpu.memref_slice %arg4[%dma_wait3A_878, %add3A_300, %dma_wait3A_883, %dma_wait3A_884] : memref<8x64x64x384xf32, #tpu.memory_space<hbm>> -> memref<1x1x64x192xf32, #tpu.memory_space<hbm>>
    %dma_wait3A_886 = tpu.memref_squeeze %dma_wait3A_885 : memref<1x1x64x192xf32, #tpu.memory_space<hbm>> -> memref<64x192xf32, #tpu.memory_space<hbm>>
    %dma_wait3A_887 = arith.constant 0 : i32
    %dma_wait3A_888 = arith.constant 192 : i32
    %dma_wait3A_889 = tpu.memref_slice %arg4[%dma_wait3A_878, %add3A_300, %dma_wait3A_887, %dma_wait3A_888] : memref<8x64x64x384xf32, #tpu.memory_space<hbm>> -> memref<1x1x64x192xf32, #tpu.memory_space<hbm>>
    %dma_wait3A_890 = tpu.memref_squeeze %dma_wait3A_889 : memref<1x1x64x192xf32, #tpu.memory_space<hbm>> -> memref<64x192xf32, #tpu.memory_space<hbm>>
    %dma_wait3A_891 = arith.constant 0 : i32
    %dma_wait3A_892 = arith.constant 0 : i32
    %dma_wait3A_893 = tpu.memref_slice %arg6[%dma_wait3A_877, %dma_wait3A_891, %dma_wait3A_892] : memref<2x64x192xf32, #tpu.memory_space<vmem>> -> memref<1x64x192xf32, #tpu.memory_space<vmem>>
    %dma_wait3A_894 = tpu.memref_squeeze %dma_wait3A_893 : memref<1x64x192xf32, #tpu.memory_space<vmem>> -> memref<64x192xf32, #tpu.memory_space<vmem>>
    tpu.wait_dma2 semaphore(%arg8 : memref<!tpu.dma_semaphore, #tpu.memory_space<semaphore_mem>>) src(%dma_wait3A_894 : memref<64x192xf32, #tpu.memory_space<vmem>>) dst(%dma_wait3A_890 : memref<64x192xf32, #tpu.memory_space<hbm>>)
    %dma_wait3A_895 = arith.constant 6 : i32
    %dma_wait3A_896 = arith.constant 0 : i32
    %dma_wait3A_897 = arith.constant 0 : i32
    %dma_wait3A_898 = tpu.memref_slice %arg4[%dma_wait3A_895, %add3A_300, %dma_wait3A_896, %dma_wait3A_897] : memref<8x64x64x384xf32, #tpu.memory_space<hbm>> -> memref<1x1x64x192xf32, #tpu.memory_space<hbm>>
    %dma_wait3A_899 = tpu.memref_squeeze %dma_wait3A_898 : memref<1x1x64x192xf32, #tpu.memory_space<hbm>> -> memref<64x192xf32, #tpu.memory_space<hbm>>
    %dma_wait3A_900 = arith.constant 0 : i32
    %dma_wait3A_901 = arith.constant 0 : i32
    %dma_wait3A_902 = tpu.memref_slice %arg4[%dma_wait3A_895, %add3A_300, %dma_wait3A_900, %dma_wait3A_901] : memref<8x64x64x384xf32, #tpu.memory_space<hbm>> -> memref<1x1x64x192xf32, #tpu.memory_space<hbm>>
    %dma_wait3A_903 = tpu.memref_squeeze %dma_wait3A_902 : memref<1x1x64x192xf32, #tpu.memory_space<hbm>> -> memref<64x192xf32, #tpu.memory_space<hbm>>
    tpu.wait_dma2 semaphore(%arg8 : memref<!tpu.dma_semaphore, #tpu.memory_space<semaphore_mem>>) src(%arg5 : memref<64x192xf32, #tpu.memory_space<vmem>>) dst(%dma_wait3A_903 : memref<64x192xf32, #tpu.memory_space<hbm>>)
    %dma_wait3A_904 = arith.constant 1 : i32
    %dma_wait3A_905 = arith.constant 6 : i32
    %dma_wait3A_906 = arith.constant 0 : i32
    %dma_wait3A_907 = arith.constant 0 : i32
    %dma_wait3A_908 = tpu.memref_slice %arg6[%dma_wait3A_904, %dma_wait3A_906, %dma_wait3A_907] : memref<2x64x192xf32, #tpu.memory_space<vmem>> -> memref<1x64x192xf32, #tpu.memory_space<vmem>>
    %dma_wait3A_909 = tpu.memref_squeeze %dma_wait3A_908 : memref<1x64x192xf32, #tpu.memory_space<vmem>> -> memref<64x192xf32, #tpu.memory_space<vmem>>
    %dma_wait3A_910 = arith.constant 0 : i32
    %dma_wait3A_911 = arith.constant 192 : i32
    %dma_wait3A_912 = tpu.memref_slice %arg4[%dma_wait3A_905, %add3A_300, %dma_wait3A_910, %dma_wait3A_911] : memref<8x64x64x384xf32, #tpu.memory_space<hbm>> -> memref<1x1x64x192xf32, #tpu.memory_space<hbm>>
    %dma_wait3A_913 = tpu.memref_squeeze %dma_wait3A_912 : memref<1x1x64x192xf32, #tpu.memory_space<hbm>> -> memref<64x192xf32, #tpu.memory_space<hbm>>
    %dma_wait3A_914 = arith.constant 0 : i32
    %dma_wait3A_915 = arith.constant 192 : i32
    %dma_wait3A_916 = tpu.memref_slice %arg4[%dma_wait3A_905, %add3A_300, %dma_wait3A_914, %dma_wait3A_915] : memref<8x64x64x384xf32, #tpu.memory_space<hbm>> -> memref<1x1x64x192xf32, #tpu.memory_space<hbm>>
    %dma_wait3A_917 = tpu.memref_squeeze %dma_wait3A_916 : memref<1x1x64x192xf32, #tpu.memory_space<hbm>> -> memref<64x192xf32, #tpu.memory_space<hbm>>
    %dma_wait3A_918 = arith.constant 0 : i32
    %dma_wait3A_919 = arith.constant 0 : i32
    %dma_wait3A_920 = tpu.memref_slice %arg6[%dma_wait3A_904, %dma_wait3A_918, %dma_wait3A_919] : memref<2x64x192xf32, #tpu.memory_space<vmem>> -> memref<1x64x192xf32, #tpu.memory_space<vmem>>
    %dma_wait3A_921 = tpu.memref_squeeze %dma_wait3A_920 : memref<1x64x192xf32, #tpu.memory_space<vmem>> -> memref<64x192xf32, #tpu.memory_space<vmem>>
    tpu.wait_dma2 semaphore(%arg8 : memref<!tpu.dma_semaphore, #tpu.memory_space<semaphore_mem>>) src(%dma_wait3A_921 : memref<64x192xf32, #tpu.memory_space<vmem>>) dst(%dma_wait3A_917 : memref<64x192xf32, #tpu.memory_space<hbm>>)
    %dma_wait3A_922 = arith.constant 7 : i32
    %dma_wait3A_923 = arith.constant 0 : i32
    %dma_wait3A_924 = arith.constant 0 : i32
    %dma_wait3A_925 = tpu.memref_slice %arg4[%dma_wait3A_922, %add3A_300, %dma_wait3A_923, %dma_wait3A_924] : memref<8x64x64x384xf32, #tpu.memory_space<hbm>> -> memref<1x1x64x192xf32, #tpu.memory_space<hbm>>
    %dma_wait3A_926 = tpu.memref_squeeze %dma_wait3A_925 : memref<1x1x64x192xf32, #tpu.memory_space<hbm>> -> memref<64x192xf32, #tpu.memory_space<hbm>>
    %dma_wait3A_927 = arith.constant 0 : i32
    %dma_wait3A_928 = arith.constant 0 : i32
    %dma_wait3A_929 = tpu.memref_slice %arg4[%dma_wait3A_922, %add3A_300, %dma_wait3A_927, %dma_wait3A_928] : memref<8x64x64x384xf32, #tpu.memory_space<hbm>> -> memref<1x1x64x192xf32, #tpu.memory_space<hbm>>
    %dma_wait3A_930 = tpu.memref_squeeze %dma_wait3A_929 : memref<1x1x64x192xf32, #tpu.memory_space<hbm>> -> memref<64x192xf32, #tpu.memory_space<hbm>>
    tpu.wait_dma2 semaphore(%arg8 : memref<!tpu.dma_semaphore, #tpu.memory_space<semaphore_mem>>) src(%arg5 : memref<64x192xf32, #tpu.memory_space<vmem>>) dst(%dma_wait3A_930 : memref<64x192xf32, #tpu.memory_space<hbm>>)
    %dma_wait3A_931 = arith.constant 1 : i32
    %dma_wait3A_932 = arith.constant 7 : i32
    %dma_wait3A_933 = arith.constant 0 : i32
    %dma_wait3A_934 = arith.constant 0 : i32
    %dma_wait3A_935 = tpu.memref_slice %arg6[%dma_wait3A_931, %dma_wait3A_933, %dma_wait3A_934] : memref<2x64x192xf32, #tpu.memory_space<vmem>> -> memref<1x64x192xf32, #tpu.memory_space<vmem>>
    %dma_wait3A_936 = tpu.memref_squeeze %dma_wait3A_935 : memref<1x64x192xf32, #tpu.memory_space<vmem>> -> memref<64x192xf32, #tpu.memory_space<vmem>>
    %dma_wait3A_937 = arith.constant 0 : i32
    %dma_wait3A_938 = arith.constant 192 : i32
    %dma_wait3A_939 = tpu.memref_slice %arg4[%dma_wait3A_932, %add3A_300, %dma_wait3A_937, %dma_wait3A_938] : memref<8x64x64x384xf32, #tpu.memory_space<hbm>> -> memref<1x1x64x192xf32, #tpu.memory_space<hbm>>
    %dma_wait3A_940 = tpu.memref_squeeze %dma_wait3A_939 : memref<1x1x64x192xf32, #tpu.memory_space<hbm>> -> memref<64x192xf32, #tpu.memory_space<hbm>>
    %dma_wait3A_941 = arith.constant 0 : i32
    %dma_wait3A_942 = arith.constant 192 : i32
    %dma_wait3A_943 = tpu.memref_slice %arg4[%dma_wait3A_932, %add3A_300, %dma_wait3A_941, %dma_wait3A_942] : memref<8x64x64x384xf32, #tpu.memory_space<hbm>> -> memref<1x1x64x192xf32, #tpu.memory_space<hbm>>
    %dma_wait3A_944 = tpu.memref_squeeze %dma_wait3A_943 : memref<1x1x64x192xf32, #tpu.memory_space<hbm>> -> memref<64x192xf32, #tpu.memory_space<hbm>>
    %dma_wait3A_945 = arith.constant 0 : i32
    %dma_wait3A_946 = arith.constant 0 : i32
    %dma_wait3A_947 = tpu.memref_slice %arg6[%dma_wait3A_931, %dma_wait3A_945, %dma_wait3A_946] : memref<2x64x192xf32, #tpu.memory_space<vmem>> -> memref<1x64x192xf32, #tpu.memory_space<vmem>>
    %dma_wait3A_948 = tpu.memref_squeeze %dma_wait3A_947 : memref<1x64x192xf32, #tpu.memory_space<vmem>> -> memref<64x192xf32, #tpu.memory_space<vmem>>
    tpu.wait_dma2 semaphore(%arg8 : memref<!tpu.dma_semaphore, #tpu.memory_space<semaphore_mem>>) src(%dma_wait3A_948 : memref<64x192xf32, #tpu.memory_space<vmem>>) dst(%dma_wait3A_944 : memref<64x192xf32, #tpu.memory_space<hbm>>)
    return
  }
}

</mosaic_0001>

<sc_bundles>
// kernel: kernel.3.cloned.1.call-start
scs
__scs_entry_jumppad:
0x0: {  	(pc) =	sbr.rel $0x88, $3  }
0x1: {  	(tag) =	ssettag $0x0;
	lr =	simm.s32 $0x1  }
0x2: {  	[smem:$0x3F9F] =	sst lr;
	_ =	strace $0xD0000000  }
0x3: {  	_ = 	snop  }
0x4: {  	_ = 	snop  }
0x5: {  	_ = 	snop  }
0x6: {  	_ = 	snop  }
0x7: {  	_ = 	snop  }
__scs_overlays_trampoline_lowered:
0x8: {  	[smem:$0x3FAE] =	sst s0  }
0x9: {  	[smem:$0x3FAF] =	sst s1  }
0xa: {  	[smem:$0x3FB0] =	sst s2  }
0xb: {  	[smem:$0x3FB1] =	sst s3  }
0xc: {  	[smem:$0x3FB2] =	sst s4  }
0xd: {  	[smem:$0x3FB3] =	sst s5  }
0xe: {  	[smem:$0x3FB4] =	sst s6  }
0xf: {  	[smem:$0x3FB5] =	sst s7  }
0x10: {  	[smem:$0x3FB6] =	sst s8  }
0x11: {  	[smem:$0x3FB7] =	sst s9;
	s0 =	simm.s32 @!p0 $0x0  }
0x12: {  	s1 =	sld [smem:$0x3F9D];
	s0 =	simm.s32 @p0 $0x1  }
0x13: {  	[smem:$0x3FB8] =	sst s0;
	s0 =	simm.s32 @!p1 $0x0  }
0x14: {  	s2 =	sld [smem:$0x3F9C];
	s0 =	simm.s32 @p1 $0x1  }
0x15: {  	[smem:$0x3FB9] =	sst s0;
	s0 =	simm.s32 @!p2 $0x0  }
0x16: {  	s3 =	sld [smem:$0x3FDB];
	s0 =	simm.s32 @p2 $0x1  }
0x17: {  	s4 =	simm.s32 $0x1BF5;
	[smem:$0x3FBB] =	sst s0  }
0x18: {  	s0 =	sld [smem:$0x3F9E];
	_ =	swait.ge [sflag:s4], $0x0  }
0x19: {  	s7 =	sld [smem:$0x3F9F]  }
0x1a: {  	s8 =	sadd.s32 $0xFFFFE003, lr  }
0x1b: {  	s9 =	sadd.s32 $0xFFFFFEF7, lr;
	s5 =	simm.s32 $0xFFFFFFFF;
	p2 =	slt.u32 s8, $0xFFFFF086  }
0x1c: {  	p1 =	slt.u32 s9, $0xF7A;
	s5 =	simm.s32 @!p2 $0x0  }
0x1d: {  	s5 =	simm.s32 @p1 $0x1;
	p0 =	seq.s32 s7, s2  }
0x1e: {  	s7 =	smul.u32 @!p0 $0xF7A, s2;
	p2 =	seq.s32 @!p0 s5, $0x0  }
0x1f: {  	s9 =	smul.u32 $0xF7A, s1;
	s8 =	simm.s32 @!p0 $0x1BF5;
	p2 =	por !p2, p0  }
0x20: {  	[sflag:s8] =	ssyncset.s32 @!p0 $0xFFFFF086;
	s6 =	sadd.s32 @!p0 s3, s7;
	s7 =	simm.s32 @!p0 $0x108  }
0x21: {  	s3 =	sadd.s32 s3, s9;
	s6 =	sadd.s32 @!p0 $0x88, s6;
	s7 =	simm.s32 @p2 $0x1082  }
0x22: {  	[simem:s7], [sflag:s8] =	dma.local @!p0 [hbm:s6], $0xF7A  }
0x23: {  	s9 =	sor.u32 $0xD0000000, s2;
	s6 =	simm.s32 $0x108;
	_ =	swait.ge @!p0 [sflag:s8], $0x0  }
0x24: {  	s3 =	sadd.s32 $0x88, s3;
	s6 =	simm.s32 @!p1 $0x1082;
	[sflag:s4] =	ssyncset.s32 $0xFFFFF086  }
0x25: {  	[simem:s6], [sflag:s4] =	dma.local [hbm:s3], $0xF7A  }
0x26: {  	[smem:$0x3F9F] =	sst s1;
	(tag) =	ssettag s2;
	_ =	strace s9  }
0x27: {  	s1 =	sld [smem:$0x3FAF]  }
0x28: {  	s2 =	sld [smem:$0x3FB0]  }
0x29: {  	s4 =	sld [smem:$0x3FB2]  }
0x2a: {  	p0 =	seq.s32 s5, $0x0;
	s5 =	sld [smem:$0x3FB3]  }
0x2b: {  	s6 =	sld [smem:$0x3FB4]  }
0x2c: {  	s7 =	sld [smem:$0x3FB5]  }
0x2d: {  	s3 =	simm.s32 $0x108;
	s8 =	sld [smem:$0x3FB6]  }
0x2e: {  	s3 =	simm.s32 @!p0 $0x1082;
	s9 =	sld [smem:$0x3FB7]  }
0x2f: {  	lr =	sadd.s32 s0, s3;
	s0 =	sld [smem:$0x3FAE]  }
0x30: {  	s3 =	sld [smem:$0x3FB1]  }
0x31: {  	[smem:$0x3FBA] =	sst s10  }
0x32: {  	s10 =	sld [smem:$0x3FB8];
	_ =	sdelay $0x3  }
0x33: {  	p0 =	seq.s32 s10, $0x1;
	s10 =	sld [smem:$0x3FBA];
	_ =	sdelay $0x3  }
0x34: {  	[smem:$0x3FBA] =	sst s10  }
0x35: {  	s10 =	sld [smem:$0x3FB9];
	_ =	sdelay $0x3  }
0x36: {  	p1 =	seq.s32 s10, $0x1;
	s10 =	sld [smem:$0x3FBA];
	_ =	sdelay $0x3  }
0x37: {  	[smem:$0x3FBA] =	sst s10  }
0x38: {  	s10 =	sld [smem:$0x3FBB]  }
0x39: {  	_ = 	snop;
	(pc) =	sbr.ind lr, $3  }
0x3a: {  	_ = 	snop  }
0x3b: {  	_ = 	snop  }
0x3c: {  	p2 =	seq.s32 s10, $0x1;
	s10 =	sld [smem:$0x3FBA]  }
0x3d: {  	_ =	shalt  }
0x3e: {  	_ =	shalt  }
0x3f: {  	_ =	shalt  }
0x40: {  	_ =	shalt  }
0x41: {  	_ =	shalt  }
0x42: {  	_ =	shalt  }
0x43: {  	_ =	shalt  }
0x44: {  	_ =	shalt  }
0x45: {  	_ =	shalt  }
0x46: {  	_ =	shalt  }
0x47: {  	_ =	shalt  }
0x48: {  	_ =	shalt  }
0x49: {  	_ =	shalt  }
0x4a: {  	_ =	shalt  }
0x4b: {  	_ =	shalt  }
0x4c: {  	_ =	shalt  }
0x4d: {  	_ =	shalt  }
0x4e: {  	_ =	shalt  }
0x4f: {  	_ =	shalt  }
0x50: {  	_ =	shalt  }
0x51: {  	_ =	shalt  }
0x52: {  	_ =	shalt  }
0x53: {  	_ =	shalt  }
0x54: {  	_ =	shalt  }
0x55: {  	_ =	shalt  }
0x56: {  	_ =	shalt  }
0x57: {  	_ =	shalt  }
0x58: {  	_ =	shalt  }
0x59: {  	_ =	shalt  }
0x5a: {  	_ =	shalt  }
0x5b: {  	_ =	shalt  }
0x5c: {  	_ =	shalt  }
0x5d: {  	_ =	shalt  }
0x5e: {  	_ =	shalt  }
0x5f: {  	_ =	shalt  }
0x60: {  	_ =	shalt  }
0x61: {  	_ =	shalt  }
0x62: {  	_ =	shalt  }
0x63: {  	_ =	shalt  }
0x64: {  	_ =	shalt  }
0x65: {  	_ =	shalt  }
0x66: {  	_ =	shalt  }
0x67: {  	_ =	shalt  }
0x68: {  	_ =	shalt  }
0x69: {  	_ =	shalt  }
0x6a: {  	_ =	shalt  }
0x6b: {  	_ =	shalt  }
0x6c: {  	_ =	shalt  }
0x6d: {  	_ =	shalt  }
0x6e: {  	_ =	shalt  }
0x6f: {  	_ =	shalt  }
0x70: {  	_ =	shalt  }
0x71: {  	_ =	shalt  }
0x72: {  	_ =	shalt  }
0x73: {  	_ =	shalt  }
0x74: {  	_ =	shalt  }
0x75: {  	_ =	shalt  }
0x76: {  	_ =	shalt  }
0x77: {  	_ =	shalt  }
0x78: {  	_ =	shalt  }
0x79: {  	_ =	shalt  }
0x7a: {  	_ =	shalt  }
0x7b: {  	_ =	shalt  }
0x7c: {  	_ =	shalt  }
0x7d: {  	_ =	shalt  }
0x7e: {  	_ =	shalt  }
0x7f: {  	_ =	shalt  }
0x80: {  	_ =	shalt  }
0x81: {  	_ =	shalt  }
0x82: {  	_ =	shalt  }
0x83: {  	_ =	shalt  }
0x84: {  	_ =	shalt  }
0x85: {  	_ =	shalt  }
0x86: {  	_ =	shalt  }
0x87: {  	_ =	shalt  }
.Lfunc_end0:
.L_simem_size_0:
called_computation_lowered:
.L_overlay_start_0:
0x88: {  	s2 =	sld [smem:$0x3FD9]  }
0x89: {  	s3 =	sld [smem:$0x3FFE];
	_ =	sdelay $0x1  }
0x8a: {  	s1 =	srdreg.scid  }
0x8b: {  	s0 =	sand.u32 $0x1, s1  }
0x8c: {  	s17 =	sshll.u32 s0, $0xA;
	s2 =	sadd.s32 s3, s2  }
0x8d: {  	s2 =	sadd.s32 s2, s17  }
0x8e: {  	[smem:$0x3FC6] =	sst s2  }
0x8f: {  	_ = 	snop  }
0x90: {  	s2 =	sld [smem:$0x3FD0];
	(tm) =	ssettm $0x1  }
0x91: {  	s18 =	sld [smem:$0x3FFB];
	_ =	sdelay $0x3  }
0x92: {  	_ =	strace s18  }
0x93: {  	s3 =	sld [smem:$0x3FFC];
	_ =	sdelay $0x3  }
0x94: {  	_ =	strace s3  }
0x95: {  	s3 =	sld [smem:$0x3FFD];
	_ =	sdelay $0x3  }
0x96: {  	_ =	strace s3  }
0x97: {  	_ =	strace $0x8FFFFFFF  }
0x98: {  	s19 =	sld [smem:$0x3FDB];
	_ =	sdelay $0x1  }
0x99: {  	s4 =	simm.s32 $_scs_section_size  }
0x9a: {  	s5 =	simm.s32 $_size__tile_overlayer_lowered;
	s6 =	simm.s32 $_tile_overlayer_lowered  }
0x9b: {  	s22 =	simm.s32 $0x1BFF;
	s21 =	sshll.u32 s6, $0x1;
	s3 =	sadd.s32 s4, s19  }
0x9c: {  	s7 =	simm.s32 $0x0;
	s20 =	sshll.u32 s5, $0x1;
	s5 =	sadd.s32 s21, s3  }
0x9d: {  	[timem:s7], [sflag:s22] =	dma.local [hbm:s5], s20  }
0x9e: {  	_ =	swait.ge [sflag:s22], s20  }
0x9f: {  	s4 =	ssub.s32 $0x0, s20;
	[sflag:s22] =	ssyncset.done $0x0  }
0xa0: {  	[sflag:s22] =	ssyncadd.s32 s4;
	_ =	sdelay $0x1  }
0xa1: {  	s23 =	simm.s32 $0x1B8B  }
0xa2: {  	_ =	swait.ge [sflag:s23], $0x1  }
0xa3: {  	[sflag:s23] =	ssyncset.done $0x0  }
0xa4: {  	s25 =	simm.s32 $0x1B8E;
	s24 =	sld [smem:$0x3FFE];
	[sflag:s23] =	ssyncadd.s32 $0xFFFFFFFF  }
0xa5: {  	s26 =	simm.s32 $execute0_lowered;
	[smem:$0x3FD2] =	sst s25  }
0xa6: {  	s5 =	sshll.u32 s26, $0x1;
	_ =	strace $0x80000046;
	[dreg:$0x1] =	wrdreg $0xFFFFFFFF  }
0xa7: {  	s28 =	simm.s32 $_size_execute0_lowered;
	s3 =	sadd.s32 s3, s5;
	[dreg:$0x0] =	wrdreg $0x0  }
0xa8: {  	s5 =	sshll.u32 s28, $0x1;
	[dreg:$0x2] =	wrdreg s3  }
0xa9: {  	[dreg:$0x3] =	wrdreg s5  }
0xaa: {  	[dreg:$0x4] =	wrdreg $0xC0  }
0xab: {  	_ =	task [dreg:s7], $0x5FFFF  }
0xac: {  	[dreg:$0x1] =	wrdreg $0xFFFFFFFF  }
0xad: {  	[dreg:$0x0] =	wrdreg $0x60  }
0xae: {  	[dreg:$0x2] =	wrdreg s2  }
0xaf: {  	[dreg:$0x3] =	wrdreg s24  }
0xb0: {  	[dreg:$0x4] =	wrdreg $0x9  }
0xb1: {  	_ =	task.clear_ibuf [dreg:s7], $0x5FFFF;
	_ =	strace $0x90000046  }
0xb2: {  	s29 =	simm.s32 $0x9;
	_ =	strace $0x80000048  }
0xb3: {  	_ =	swait.ge [sflag:s29], $0x1  }
0xb4: {  	[sflag:s29] =	ssyncadd.s32 $0xFFFFFFFF  }
0xb5: {  	_ =	strace $0x90000048  }
0xb6: {  	_ =	sfence  }
0xb7: {  	s30 =	sld [smem:$0x0];
	_ =	sdelay $0x2  }
0xb8: {  	s31 =	sshll.u32 s1, $0xD;
	s1 =	sshrl.u32 s1, $0x2  }
0xb9: {  	s3 =	sand.u32 $0x4000, s31;
	s1 =	sadd.s32 s1, s30  }
0xba: {  	s0 =	sor.u32 s3, s0;
	s1 =	sshll.u32 s1, $0x11  }
0xbb: {  	s0 =	sor.u32 s1, s0  }
0xbc: {  	s0 =	sadd.s32 $0x8F2B, s0  }
0xbd: {  	[sflag:s0] =	ssyncadd.remote.s32 $0x1  }
0xbe: {  	_ =	sfence.sel $0xFFFF  }
0xbf: {  	[dreg:$0x0] =	wrdreg $0xFFFFFFFF;
	(pc) =	sbr.abs _section_cstart, $3  }
0xc0: {  	[dreg:$0x1] =	wrdreg $0xFFFFFFFF  }
0xc1: {  	_ =	task.clear_ibuf [dreg:s7], $0x2FFFF;
	_ =	strace $0x9FFFFFFF  }
0xc2: {  	(tm) =	ssettm $0x7FFFFFFF  }
0xc3: {  	_ =	shalt  }
tec
execute0_lowered:
.L_overlay_start_1:
0x0: {  	(tag) =	ssettag $0x1  }
0x1: {  	s1 =	srdreg.scid;
	s2 =	rddreg [dreg:$0x0]  }
0x2: {  	s0 =	stileid.u32;
	s5 =	rddreg [dreg:$0x1]  }
0x3: {  	s3 =	simm.s32 $0x0;
	s1 =	sand.u32 $0x1, s1;
	s4 =	sshll.u32 s0, $0x2  }
0x4: {  	[smem:$0x7FF] =	sst s3;
	s0 =	sadd.s32 $0x400, s5;
	s6 =	sshll.u32 s1, $0x1  }
0x5: {  	_ =	strace $0x80000047;
	[dreg:$0x3] =	wrdreg s0;
	s10 =	sor.u32 s6, s4  }
0x6: {  	s21 =	rddreg [dreg:$0x3];
	s4 =	smul.u32 $0x6000, s10  }
0x7: {  	[tilespmem:s3], [sflag:$0x2] =	stream.linear.gather [hbm4b:s21+s3], $0x3000, $0x38;
	[tilespmem:$0x9040] =	vst v63  }
0x8: {  	s16 =	sadd.s32 $0x1018, s5;
	s7 =	sshrl.u32 s4, $0x3  }
0x9: {  	s15 =	sadd.s32 $0x1000, s5;
	s23 =	sadd.s32 $0xC1000, s5;
	s4 =	sadd.s32 s7, s16  }
0xa: {  	s24 =	sadd.s32 $0xC1018, s5;
	s17 =	sadd.s32 s7, s23;
	[dreg:$0x4] =	wrdreg s4  }
0xb: {  	s0 =	sadd.s32 s15, s7;
	s5 =	sadd.s32 s7, s24;
	[dreg:$0xb] =	wrdreg s17  }
0xc: {  	s8 =	sadd.s32 $0x30000, s0;
	[dreg:$0xc] =	wrdreg s5  }
0xd: {  	s9 =	sadd.s32 $0x30018, s0;
	[dreg:$0x5] =	wrdreg s8  }
0xe: {  	s11 =	sadd.s32 $0x60000, s0;
	[dreg:$0x6] =	wrdreg s9  }
0xf: {  	s12 =	sadd.s32 $0x60018, s0;
	[dreg:$0x7] =	wrdreg s11  }
0x10: {  	s13 =	sadd.s32 $0x90000, s0;
	[dreg:$0x8] =	wrdreg s12  }
0x11: {  	s14 =	sadd.s32 $0x90018, s0;
	[dreg:$0x9] =	wrdreg s13  }
0x12: {  	s18 =	sadd.s32 $0xF0000, s0;
	[dreg:$0xa] =	wrdreg s14  }
0x13: {  	s19 =	sadd.s32 $0xF0018, s0;
	[dreg:$0xd] =	wrdreg s18  }
0x14: {  	s20 =	sadd.s32 $0x120000, s0;
	[dreg:$0xe] =	wrdreg s19  }
0x15: {  	s22 =	sadd.s32 $0x120018, s0;
	[dreg:$0xf] =	wrdreg s20  }
0x16: {  	s5 =	simm.s32 $0x2;
	[dreg:$0x10] =	wrdreg s22  }
0x17: {  	_ =	swait.ge [sflag:s5], $0x3000  }
0x18: {  	[sflag:s5] =	ssyncset.done $0x0  }
0x19: {  	v0 =	vmov s10;
	[sflag:s5] =	ssyncadd.s32 $0xFFFFD000  }
0x1a: {  	[tilespmem:$0x9030] =	vst v0  }
0x1b: {  	[tilespmem:$0x9020] =	vst v0  }
0x1c: {  	s25 =	simm.s32 $0x40;
	[tilespmem:$0x9000] =	vst v0  }
0x1d: {  	s6 =	simm.s32 $0x1;
	s8 =	simm.s32 $0x9000;
	s9 =	simm.s32 $0x3000;
	[tilespmem:$0x9010] =	vst v0  }
0x1e: {  	[tilespmem:s9], [sflag:$0x1] =	stream.indirect.gather [hbm4b:s2+s25], $0xC0, s8, s25, $0xb8;
	[tilespmem:$0x9040] =	vst v63  }
0x1f: {  	_ =	swait.ge [sflag:s6], $0x3000  }
0x20: {  	s14 =	sor.u32 $0x1, s10;
	[sflag:s6] =	ssyncset.done $0x0  }
0x21: {  	v1 =	vmov s14;
	[sflag:s6] =	ssyncadd.s32 $0xFFFFD000  }
0x22: {  	[tilespmem:$0x9000] =	vst v1  }
0x23: {  	[tilespmem:$0x9030] =	vst v1  }
0x24: {  	[tilespmem:$0x9020] =	vst v1  }
0x25: {  	s10 =	simm.s32 $0x6000;
	[tilespmem:$0x9010] =	vst v1  }
0x26: {  	[tilespmem:s10], [sflag:$0x1] =	stream.indirect.gather [hbm4b:s2+s25], $0xC0, s8, s25, $0xb8;
	[tilespmem:$0x9040] =	vst v63  }
0x27: {  	_ =	swait.ge [sflag:s6], $0x3000  }
0x28: {  	[sflag:s6] =	ssyncset.done $0x0  }
0x29: {  	s11 =	simm.s32 $0xC0;
	s12 =	simm.s32 $0x180;
	[sflag:s6] =	ssyncadd.s32 $0xFFFFD000  }
0x2a: {  	[hbm4b:s0+s11] =	stream.strided.scatter [tilespmem:s3], [sflag:$0x1], $0x3000, s12, s11, $0x38;
	[tilespmem:$0x9040] =	vst v63  }
0x2b: {  	s13 =	rddreg [dreg:$0x4]  }
0x2c: {  	[hbm4b:s13+s11] =	stream.strided.scatter [tilespmem:s9], [sflag:$0x1], $0x3000, s12, s11, $0x38;
	[tilespmem:$0x9040] =	vst v63  }
0x2d: {  	s17 =	rddreg [dreg:$0x5]  }
0x2e: {  	[hbm4b:s17+s11] =	stream.strided.scatter [tilespmem:s3], [sflag:$0x1], $0x3000, s12, s11, $0x38;
	[tilespmem:$0x9040] =	vst v63  }
0x2f: {  	s26 =	rddreg [dreg:$0x6]  }
0x30: {  	[hbm4b:s26+s11] =	stream.strided.scatter [tilespmem:s9], [sflag:$0x1], $0x3000, s12, s11, $0x38;
	[tilespmem:$0x9040] =	vst v63  }
0x31: {  	s2 =	rddreg [dreg:$0x7]  }
0x32: {  	[hbm4b:s2+s11] =	stream.strided.scatter [tilespmem:s3], [sflag:$0x1], $0x3000, s12, s11, $0x38;
	[tilespmem:$0x9040] =	vst v63  }
0x33: {  	s4 =	rddreg [dreg:$0x8]  }
0x34: {  	[hbm4b:s4+s11] =	stream.strided.scatter [tilespmem:s9], [sflag:$0x1], $0x3000, s12, s11, $0x38;
	[tilespmem:$0x9040] =	vst v63  }
0x35: {  	s7 =	rddreg [dreg:$0x9]  }
0x36: {  	[hbm4b:s7+s11] =	stream.strided.scatter [tilespmem:s3], [sflag:$0x1], $0x3000, s12, s11, $0x38;
	[tilespmem:$0x9040] =	vst v63  }
0x37: {  	s18 =	rddreg [dreg:$0xa]  }
0x38: {  	[hbm4b:s18+s11] =	stream.strided.scatter [tilespmem:s9], [sflag:$0x1], $0x3000, s12, s11, $0x38;
	[tilespmem:$0x9040] =	vst v63  }
0x39: {  	s19 =	rddreg [dreg:$0xb]  }
0x3a: {  	[hbm4b:s19+s11] =	stream.strided.scatter [tilespmem:s3], [sflag:$0x1], $0x3000, s12, s11, $0x38;
	[tilespmem:$0x9040] =	vst v63  }
0x3b: {  	s20 =	rddreg [dreg:$0xc]  }
0x3c: {  	[hbm4b:s20+s11] =	stream.strided.scatter [tilespmem:s9], [sflag:$0x1], $0x3000, s12, s11, $0x38;
	[tilespmem:$0x9040] =	vst v63  }
0x3d: {  	s21 =	rddreg [dreg:$0xd]  }
0x3e: {  	[hbm4b:s21+s11] =	stream.strided.scatter [tilespmem:s3], [sflag:$0x1], $0x3000, s12, s11, $0x38;
	[tilespmem:$0x9040] =	vst v63  }
0x3f: {  	s22 =	rddreg [dreg:$0xe]  }
0x40: {  	[hbm4b:s22+s11] =	stream.strided.scatter [tilespmem:s9], [sflag:$0x1], $0x3000, s12, s11, $0x38;
	[tilespmem:$0x9040] =	vst v63  }
0x41: {  	s25 =	rddreg [dreg:$0xf]  }
0x42: {  	[hbm4b:s25+s11] =	stream.strided.scatter [tilespmem:s3], [sflag:$0x1], $0x3000, s12, s11, $0x38;
	[tilespmem:$0x9040] =	vst v63  }
0x43: {  	s26 =	rddreg [dreg:$0x10]  }
0x44: {  	[hbm4b:s26+s11] =	stream.strided.scatter [tilespmem:s9], [sflag:$0x1], $0x3000, s12, s11, $0x38;
	[tilespmem:$0x9040] =	vst v63  }
0x45: {  	s13 =	sadd.s32 $0x150000, s0;
	s2 =	smul.u32 $0x6000, s14  }
0x46: {  	[hbm4b:s13+s11] =	stream.strided.scatter [tilespmem:s3], [sflag:$0x1], $0x3000, s12, s11, $0x38;
	[tilespmem:$0x9040] =	vst v63  }
0x47: {  	s14 =	sadd.s32 $0x150018, s0;
	s25 =	sshrl.u32 s2, $0x3  }
0x48: {  	[hbm4b:s14+s11] =	stream.strided.scatter [tilespmem:s9], [sflag:$0x1], $0x3000, s12, s11, $0x38;
	[tilespmem:$0x9040] =	vst v63  }
0x49: {  	s15 =	sadd.s32 s15, s25  }
0x4a: {  	[hbm4b:s15+s11] =	stream.strided.scatter [tilespmem:s3], [sflag:$0x1], $0x3000, s12, s11, $0x38;
	[tilespmem:$0x9040] =	vst v63  }
0x4b: {  	s16 =	sadd.s32 s25, s16  }
0x4c: {  	[hbm4b:s16+s11] =	stream.strided.scatter [tilespmem:s10], [sflag:$0x1], $0x3000, s12, s11, $0x38;
	[tilespmem:$0x9040] =	vst v63  }
0x4d: {  	s17 =	sadd.s32 $0x30000, s15  }
0x4e: {  	[hbm4b:s17+s11] =	stream.strided.scatter [tilespmem:s3], [sflag:$0x1], $0x3000, s12, s11, $0x38;
	[tilespmem:$0x9040] =	vst v63  }
0x4f: {  	s18 =	sadd.s32 $0x30018, s15  }
0x50: {  	[hbm4b:s18+s11] =	stream.strided.scatter [tilespmem:s10], [sflag:$0x1], $0x3000, s12, s11, $0x38;
	[tilespmem:$0x9040] =	vst v63  }
0x51: {  	s19 =	sadd.s32 $0x60000, s15  }
0x52: {  	[hbm4b:s19+s11] =	stream.strided.scatter [tilespmem:s3], [sflag:$0x1], $0x3000, s12, s11, $0x38;
	[tilespmem:$0x9040] =	vst v63  }
0x53: {  	s20 =	sadd.s32 $0x60018, s15  }
0x54: {  	[hbm4b:s20+s11] =	stream.strided.scatter [tilespmem:s10], [sflag:$0x1], $0x3000, s12, s11, $0x38;
	[tilespmem:$0x9040] =	vst v63  }
0x55: {  	s21 =	sadd.s32 $0x90000, s15  }
0x56: {  	[hbm4b:s21+s11] =	stream.strided.scatter [tilespmem:s3], [sflag:$0x1], $0x3000, s12, s11, $0x38;
	[tilespmem:$0x9040] =	vst v63  }
0x57: {  	s22 =	sadd.s32 $0x90018, s15  }
0x58: {  	[hbm4b:s22+s11] =	stream.strided.scatter [tilespmem:s10], [sflag:$0x1], $0x3000, s12, s11, $0x38;
	[tilespmem:$0x9040] =	vst v63  }
0x59: {  	s23 =	sadd.s32 s25, s23  }
0x5a: {  	[hbm4b:s23+s11] =	stream.strided.scatter [tilespmem:s3], [sflag:$0x1], $0x3000, s12, s11, $0x38;
	[tilespmem:$0x9040] =	vst v63  }
0x5b: {  	s24 =	sadd.s32 s25, s24  }
0x5c: {  	[hbm4b:s24+s11] =	stream.strided.scatter [tilespmem:s10], [sflag:$0x1], $0x3000, s12, s11, $0x38;
	[tilespmem:$0x9040] =	vst v63  }
0x5d: {  	s25 =	sadd.s32 $0xF0000, s15  }
0x5e: {  	[hbm4b:s25+s11] =	stream.strided.scatter [tilespmem:s3], [sflag:$0x1], $0x3000, s12, s11, $0x38;
	[tilespmem:$0x9040] =	vst v63  }
0x5f: {  	s26 =	sadd.s32 $0xF0018, s15  }
0x60: {  	[hbm4b:s26+s11] =	stream.strided.scatter [tilespmem:s10], [sflag:$0x1], $0x3000, s12, s11, $0x38;
	[tilespmem:$0x9040] =	vst v63  }
0x61: {  	s28 =	sadd.s32 $0x120000, s15  }
0x62: {  	[hbm4b:s28+s11] =	stream.strided.scatter [tilespmem:s3], [sflag:$0x1], $0x3000, s12, s11, $0x38;
	[tilespmem:$0x9040] =	vst v63  }
0x63: {  	s29 =	sadd.s32 $0x120018, s15  }
0x64: {  	[hbm4b:s29+s11] =	stream.strided.scatter [tilespmem:s10], [sflag:$0x1], $0x3000, s12, s11, $0x38;
	[tilespmem:$0x9040] =	vst v63  }
0x65: {  	s30 =	sadd.s32 $0x150000, s15  }
0x66: {  	[hbm4b:s30+s11] =	stream.strided.scatter [tilespmem:s3], [sflag:$0x1], $0x3000, s12, s11, $0x38;
	[tilespmem:$0x9040] =	vst v63  }
0x67: {  	s31 =	sadd.s32 $0x150018, s15  }
0x68: {  	[hbm4b:s31+s11] =	stream.strided.scatter [tilespmem:s10], [sflag:$0x1], $0x3000, s12, s11, $0x38;
	[tilespmem:$0x9040] =	vst v63  }
0x69: {  	_ =	swait.ge [sflag:s6], $0x3000  }
0x6a: {  	[sflag:s6] =	ssyncset.done $0x0  }
0x6b: {  	[sflag:s6] =	ssyncadd.s32 $0xFFFFD000  }
0x6c: {  	_ =	swait.ge [sflag:s6], $0x3000  }
0x6d: {  	[sflag:s6] =	ssyncset.done $0x0  }
0x6e: {  	[sflag:s6] =	ssyncadd.s32 $0xFFFFD000  }
0x6f: {  	_ =	swait.ge [sflag:s6], $0x3000  }
0x70: {  	[sflag:s6] =	ssyncset.done $0x0  }
0x71: {  	[sflag:s6] =	ssyncadd.s32 $0xFFFFD000  }
0x72: {  	_ =	swait.ge [sflag:s6], $0x3000  }
0x73: {  	[sflag:s6] =	ssyncset.done $0x0  }
0x74: {  	[sflag:s6] =	ssyncadd.s32 $0xFFFFD000  }
0x75: {  	_ =	swait.ge [sflag:s6], $0x3000  }
0x76: {  	[sflag:s6] =	ssyncset.done $0x0  }
0x77: {  	[sflag:s6] =	ssyncadd.s32 $0xFFFFD000  }
0x78: {  	_ =	swait.ge [sflag:s6], $0x3000  }
0x79: {  	[sflag:s6] =	ssyncset.done $0x0  }
0x7a: {  	[sflag:s6] =	ssyncadd.s32 $0xFFFFD000  }
0x7b: {  	_ =	swait.ge [sflag:s6], $0x3000  }
0x7c: {  	[sflag:s6] =	ssyncset.done $0x0  }
0x7d: {  	[sflag:s6] =	ssyncadd.s32 $0xFFFFD000  }
0x7e: {  	_ =	swait.ge [sflag:s6], $0x3000  }
0x7f: {  	[sflag:s6] =	ssyncset.done $0x0  }
0x80: {  	[sflag:s6] =	ssyncadd.s32 $0xFFFFD000  }
0x81: {  	_ =	swait.ge [sflag:s6], $0x3000  }
0x82: {  	[sflag:s6] =	ssyncset.done $0x0  }
0x83: {  	[sflag:s6] =	ssyncadd.s32 $0xFFFFD000  }
0x84: {  	_ =	swait.ge [sflag:s6], $0x3000  }
0x85: {  	[sflag:s6] =	ssyncset.done $0x0  }
0x86: {  	[sflag:s6] =	ssyncadd.s32 $0xFFFFD000  }
0x87: {  	_ =	swait.ge [sflag:s6], $0x3000  }
0x88: {  	[sflag:s6] =	ssyncset.done $0x0  }
0x89: {  	[sflag:s6] =	ssyncadd.s32 $0xFFFFD000  }
0x8a: {  	_ =	swait.ge [sflag:s6], $0x3000  }
0x8b: {  	[sflag:s6] =	ssyncset.done $0x0  }
0x8c: {  	[sflag:s6] =	ssyncadd.s32 $0xFFFFD000  }
0x8d: {  	_ =	swait.ge [sflag:s6], $0x3000  }
0x8e: {  	[sflag:s6] =	ssyncset.done $0x0  }
0x8f: {  	[sflag:s6] =	ssyncadd.s32 $0xFFFFD000  }
0x90: {  	_ =	swait.ge [sflag:s6], $0x3000  }
0x91: {  	[sflag:s6] =	ssyncset.done $0x0  }
0x92: {  	[sflag:s6] =	ssyncadd.s32 $0xFFFFD000  }
0x93: {  	_ =	swait.ge [sflag:s6], $0x3000  }
0x94: {  	[sflag:s6] =	ssyncset.done $0x0  }
0x95: {  	[sflag:s6] =	ssyncadd.s32 $0xFFFFD000  }
0x96: {  	_ =	swait.ge [sflag:s6], $0x3000  }
0x97: {  	[sflag:s6] =	ssyncset.done $0x0  }
0x98: {  	[sflag:s6] =	ssyncadd.s32 $0xFFFFD000  }
0x99: {  	_ =	swait.ge [sflag:s6], $0x3000  }
0x9a: {  	[sflag:s6] =	ssyncset.done $0x0  }
0x9b: {  	[sflag:s6] =	ssyncadd.s32 $0xFFFFD000  }
0x9c: {  	_ =	swait.ge [sflag:s6], $0x3000  }
0x9d: {  	[sflag:s6] =	ssyncset.done $0x0  }
0x9e: {  	[sflag:s6] =	ssyncadd.s32 $0xFFFFD000  }
0x9f: {  	_ =	swait.ge [sflag:s6], $0x3000  }
0xa0: {  	[sflag:s6] =	ssyncset.done $0x0  }
0xa1: {  	[sflag:s6] =	ssyncadd.s32 $0xFFFFD000  }
0xa2: {  	_ =	swait.ge [sflag:s6], $0x3000  }
0xa3: {  	[sflag:s6] =	ssyncset.done $0x0  }
0xa4: {  	[sflag:s6] =	ssyncadd.s32 $0xFFFFD000  }
0xa5: {  	_ =	swait.ge [sflag:s6], $0x3000  }
0xa6: {  	[sflag:s6] =	ssyncset.done $0x0  }
0xa7: {  	[sflag:s6] =	ssyncadd.s32 $0xFFFFD000  }
0xa8: {  	_ =	swait.ge [sflag:s6], $0x3000  }
0xa9: {  	[sflag:s6] =	ssyncset.done $0x0  }
0xaa: {  	[sflag:s6] =	ssyncadd.s32 $0xFFFFD000  }
0xab: {  	_ =	swait.ge [sflag:s6], $0x3000  }
0xac: {  	[sflag:s6] =	ssyncset.done $0x0  }
0xad: {  	[sflag:s6] =	ssyncadd.s32 $0xFFFFD000  }
0xae: {  	_ =	swait.ge [sflag:s6], $0x3000  }
0xaf: {  	[sflag:s6] =	ssyncset.done $0x0  }
0xb0: {  	[sflag:s6] =	ssyncadd.s32 $0xFFFFD000  }
0xb1: {  	_ =	swait.ge [sflag:s6], $0x3000  }
0xb2: {  	[sflag:s6] =	ssyncset.done $0x0  }
0xb3: {  	[sflag:s6] =	ssyncadd.s32 $0xFFFFD000  }
0xb4: {  	_ =	swait.ge [sflag:s6], $0x3000  }
0xb5: {  	[sflag:s6] =	ssyncset.done $0x0  }
0xb6: {  	[sflag:s6] =	ssyncadd.s32 $0xFFFFD000  }
0xb7: {  	_ =	swait.ge [sflag:s6], $0x3000  }
0xb8: {  	s1 =	ssub.s32 $0x2, s1;
	[sflag:s6] =	ssyncset.done $0x0  }
0xb9: {  	s4 =	sshrl.u32 s1, $0x1;
	[sflag:s6] =	ssyncadd.s32 $0xFFFFD000  }
0xba: {  	s7 =	smov.u32 s0;
	s0 =	ssub.s32 s1, s4;
	_ =	swait.ge [sflag:s6], $0x3000  }
0xbb: {  	s0 =	smax.u32 s0, $0x1;
	[sflag:s6] =	ssyncset.done $0x0  }
0xbc: {  	p0 =	sne.s32 s0, $0x1;
	[sflag:s6] =	ssyncadd.s32 $0xFFFFD000  }
.Ltmp0:
0xbd: {  	_ =	swait.ge [sflag:s6], $0x3000;
	(pc) =	sbr.rel @!p0 .LBB2_2-.Ltmp0, $4  }
0xbe: {  	[sflag:s6] =	ssyncset.done $0x0  }
0xbf: {  	[sflag:s6] =	ssyncadd.s32 $0xFFFFD000  }
0xc0: {  	_ =	swait.ge [sflag:s6], $0x3000  }
0xc1: {  	s1 =	sadd.s32 $0xFFFFFFFF, s0;
	[sflag:s6] =	ssyncset.done $0x0  }
.LBB2_1:
0xc2: {  	[sflag:s6] =	ssyncadd.s32 $0xFFFFD000  }
0xc3: {  	_ =	swait.ge [sflag:s6], $0x3000  }
0xc4: {  	[sflag:s6] =	ssyncset.done $0x0  }
0xc5: {  	[sflag:s6] =	ssyncadd.s32 $0xFFFFD000  }
0xc6: {  	_ =	swait.ge [sflag:s6], $0x3000  }
0xc7: {  	[sflag:s6] =	ssyncset.done $0x0  }
0xc8: {  	s0 =	rddreg [dreg:$0x3];
	[sflag:s6] =	ssyncadd.s32 $0xFFFFD000  }
0xc9: {  	[tilespmem:s3], [sflag:$0x2] =	stream.linear.gather [hbm4b:s0+s3], $0x3000, $0x38;
	[tilespmem:$0x9040] =	vst v63  }
0xca: {  	_ =	swait.ge [sflag:s5], $0x3000  }
0xcb: {  	[sflag:s5] =	ssyncset.done $0x0  }
0xcc: {  	[sflag:s5] =	ssyncadd.s32 $0xFFFFD000  }
0xcd: {  	[tilespmem:$0x9030] =	vst v0  }
0xce: {  	[tilespmem:$0x9020] =	vst v0  }
0xcf: {  	[tilespmem:$0x9000] =	vst v0  }
0xd0: {  	s2 =	simm.s32 $0x40;
	[tilespmem:$0x9010] =	vst v0;
	s4 =	rddreg [dreg:$0x0]  }
0xd1: {  	[tilespmem:s9], [sflag:$0x1] =	stream.indirect.gather [hbm4b:s4+s2], $0xC0, s8, s2, $0xb8;
	[tilespmem:$0x9040] =	vst v63  }
0xd2: {  	_ =	swait.ge [sflag:s6], $0x3000  }
0xd3: {  	[sflag:s6] =	ssyncset.done $0x0  }
0xd4: {  	[sflag:s6] =	ssyncadd.s32 $0xFFFFD000  }
0xd5: {  	[tilespmem:$0x9000] =	vst v1  }
0xd6: {  	[tilespmem:$0x9030] =	vst v1  }
0xd7: {  	[tilespmem:$0x9020] =	vst v1  }
0xd8: {  	[tilespmem:$0x9010] =	vst v1  }
0xd9: {  	[tilespmem:s10], [sflag:$0x1] =	stream.indirect.gather [hbm4b:s4+s2], $0xC0, s8, s2, $0xb8;
	[tilespmem:$0x9040] =	vst v63  }
0xda: {  	_ =	swait.ge [sflag:s6], $0x3000  }
0xdb: {  	[sflag:s6] =	ssyncset.done $0x0  }
0xdc: {  	[sflag:s6] =	ssyncadd.s32 $0xFFFFD000  }
0xdd: {  	[hbm4b:s7+s11] =	stream.strided.scatter [tilespmem:s3], [sflag:$0x1], $0x3000, s12, s11, $0x38;
	[tilespmem:$0x9040] =	vst v63  }
0xde: {  	s0 =	rddreg [dreg:$0x4]  }
0xdf: {  	[hbm4b:s0+s11] =	stream.strided.scatter [tilespmem:s9], [sflag:$0x1], $0x3000, s12, s11, $0x38;
	[tilespmem:$0x9040] =	vst v63  }
0xe0: {  	s2 =	rddreg [dreg:$0x5]  }
0xe1: {  	[hbm4b:s2+s11] =	stream.strided.scatter [tilespmem:s3], [sflag:$0x1], $0x3000, s12, s11, $0x38;
	[tilespmem:$0x9040] =	vst v63  }
0xe2: {  	s4 =	rddreg [dreg:$0x6]  }
0xe3: {  	[hbm4b:s4+s11] =	stream.strided.scatter [tilespmem:s9], [sflag:$0x1], $0x3000, s12, s11, $0x38;
	[tilespmem:$0x9040] =	vst v63  }
0xe4: {  	s0 =	rddreg [dreg:$0x7]  }
0xe5: {  	[hbm4b:s0+s11] =	stream.strided.scatter [tilespmem:s3], [sflag:$0x1], $0x3000, s12, s11, $0x38;
	[tilespmem:$0x9040] =	vst v63  }
0xe6: {  	s2 =	rddreg [dreg:$0x8]  }
0xe7: {  	[hbm4b:s2+s11] =	stream.strided.scatter [tilespmem:s9], [sflag:$0x1], $0x3000, s12, s11, $0x38;
	[tilespmem:$0x9040] =	vst v63  }
0xe8: {  	s4 =	rddreg [dreg:$0x9]  }
0xe9: {  	[hbm4b:s4+s11] =	stream.strided.scatter [tilespmem:s3], [sflag:$0x1], $0x3000, s12, s11, $0x38;
	[tilespmem:$0x9040] =	vst v63  }
0xea: {  	s0 =	rddreg [dreg:$0xa]  }
0xeb: {  	[hbm4b:s0+s11] =	stream.strided.scatter [tilespmem:s9], [sflag:$0x1], $0x3000, s12, s11, $0x38;
	[tilespmem:$0x9040] =	vst v63  }
0xec: {  	s2 =	rddreg [dreg:$0xb]  }
0xed: {  	[hbm4b:s2+s11] =	stream.strided.scatter [tilespmem:s3], [sflag:$0x1], $0x3000, s12, s11, $0x38;
	[tilespmem:$0x9040] =	vst v63  }
0xee: {  	s4 =	rddreg [dreg:$0xc]  }
0xef: {  	[hbm4b:s4+s11] =	stream.strided.scatter [tilespmem:s9], [sflag:$0x1], $0x3000, s12, s11, $0x38;
	[tilespmem:$0x9040] =	vst v63  }
0xf0: {  	s0 =	rddreg [dreg:$0xd]  }
0xf1: {  	[hbm4b:s0+s11] =	stream.strided.scatter [tilespmem:s3], [sflag:$0x1], $0x3000, s12, s11, $0x38;
	[tilespmem:$0x9040] =	vst v63  }
0xf2: {  	s2 =	rddreg [dreg:$0xe]  }
0xf3: {  	[hbm4b:s2+s11] =	stream.strided.scatter [tilespmem:s9], [sflag:$0x1], $0x3000, s12, s11, $0x38;
	[tilespmem:$0x9040] =	vst v63  }
0xf4: {  	s4 =	rddreg [dreg:$0xf]  }
0xf5: {  	[hbm4b:s4+s11] =	stream.strided.scatter [tilespmem:s3], [sflag:$0x1], $0x3000, s12, s11, $0x38;
	[tilespmem:$0x9040] =	vst v63  }
0xf6: {  	s0 =	rddreg [dreg:$0x10]  }
0xf7: {  	[hbm4b:s0+s11] =	stream.strided.scatter [tilespmem:s9], [sflag:$0x1], $0x3000, s12, s11, $0x38;
	[tilespmem:$0x9040] =	vst v63  }
0xf8: {  	_ = 	snop  }
0xf9: {  	[hbm4b:s13+s11] =	stream.strided.scatter [tilespmem:s3], [sflag:$0x1], $0x3000, s12, s11, $0x38;
	[tilespmem:$0x9040] =	vst v63  }
0xfa: {  	_ = 	snop  }
0xfb: {  	[hbm4b:s14+s11] =	stream.strided.scatter [tilespmem:s9], [sflag:$0x1], $0x3000, s12, s11, $0x38;
	[tilespmem:$0x9040] =	vst v63  }
0xfc: {  	_ = 	snop  }
0xfd: {  	[hbm4b:s15+s11] =	stream.strided.scatter [tilespmem:s3], [sflag:$0x1], $0x3000, s12, s11, $0x38;
	[tilespmem:$0x9040] =	vst v63  }
0xfe: {  	_ = 	snop  }
0xff: {  	[hbm4b:s16+s11] =	stream.strided.scatter [tilespmem:s10], [sflag:$0x1], $0x3000, s12, s11, $0x38;
	[tilespmem:$0x9040] =	vst v63  }
0x100: {  	_ = 	snop  }
0x101: {  	[hbm4b:s17+s11] =	stream.strided.scatter [tilespmem:s3], [sflag:$0x1], $0x3000, s12, s11, $0x38;
	[tilespmem:$0x9040] =	vst v63  }
0x102: {  	_ = 	snop  }
0x103: {  	[hbm4b:s18+s11] =	stream.strided.scatter [tilespmem:s10], [sflag:$0x1], $0x3000, s12, s11, $0x38;
	[tilespmem:$0x9040] =	vst v63  }
0x104: {  	_ = 	snop  }
0x105: {  	[hbm4b:s19+s11] =	stream.strided.scatter [tilespmem:s3], [sflag:$0x1], $0x3000, s12, s11, $0x38;
	[tilespmem:$0x9040] =	vst v63  }
0x106: {  	_ = 	snop  }
0x107: {  	[hbm4b:s20+s11] =	stream.strided.scatter [tilespmem:s10], [sflag:$0x1], $0x3000, s12, s11, $0x38;
	[tilespmem:$0x9040] =	vst v63  }
0x108: {  	_ = 	snop  }
0x109: {  	[hbm4b:s21+s11] =	stream.strided.scatter [tilespmem:s3], [sflag:$0x1], $0x3000, s12, s11, $0x38;
	[tilespmem:$0x9040] =	vst v63  }
0x10a: {  	_ = 	snop  }
0x10b: {  	[hbm4b:s22+s11] =	stream.strided.scatter [tilespmem:s10], [sflag:$0x1], $0x3000, s12, s11, $0x38;
	[tilespmem:$0x9040] =	vst v63  }
0x10c: {  	_ = 	snop  }
0x10d: {  	[hbm4b:s23+s11] =	stream.strided.scatter [tilespmem:s3], [sflag:$0x1], $0x3000, s12, s11, $0x38;
	[tilespmem:$0x9040] =	vst v63  }
0x10e: {  	_ = 	snop  }
0x10f: {  	[hbm4b:s24+s11] =	stream.strided.scatter [tilespmem:s10], [sflag:$0x1], $0x3000, s12, s11, $0x38;
	[tilespmem:$0x9040] =	vst v63  }
0x110: {  	_ = 	snop  }
0x111: {  	[hbm4b:s25+s11] =	stream.strided.scatter [tilespmem:s3], [sflag:$0x1], $0x3000, s12, s11, $0x38;
	[tilespmem:$0x9040] =	vst v63  }
0x112: {  	_ = 	snop  }
0x113: {  	[hbm4b:s26+s11] =	stream.strided.scatter [tilespmem:s10], [sflag:$0x1], $0x3000, s12, s11, $0x38;
	[tilespmem:$0x9040] =	vst v63  }
0x114: {  	_ = 	snop  }
0x115: {  	[hbm4b:s28+s11] =	stream.strided.scatter [tilespmem:s3], [sflag:$0x1], $0x3000, s12, s11, $0x38;
	[tilespmem:$0x9040] =	vst v63  }
0x116: {  	_ = 	snop  }
0x117: {  	[hbm4b:s29+s11] =	stream.strided.scatter [tilespmem:s10], [sflag:$0x1], $0x3000, s12, s11, $0x38;
	[tilespmem:$0x9040] =	vst v63  }
0x118: {  	_ = 	snop  }
0x119: {  	[hbm4b:s30+s11] =	stream.strided.scatter [tilespmem:s3], [sflag:$0x1], $0x3000, s12, s11, $0x38;
	[tilespmem:$0x9040] =	vst v63  }
0x11a: {  	_ = 	snop  }
0x11b: {  	[hbm4b:s31+s11] =	stream.strided.scatter [tilespmem:s10], [sflag:$0x1], $0x3000, s12, s11, $0x38;
	[tilespmem:$0x9040] =	vst v63  }
0x11c: {  	_ =	swait.ge [sflag:s6], $0x3000  }
0x11d: {  	[sflag:s6] =	ssyncset.done $0x0  }
0x11e: {  	[sflag:s6] =	ssyncadd.s32 $0xFFFFD000  }
0x11f: {  	_ =	swait.ge [sflag:s6], $0x3000  }
0x120: {  	[sflag:s6] =	ssyncset.done $0x0  }
0x121: {  	[sflag:s6] =	ssyncadd.s32 $0xFFFFD000  }
0x122: {  	_ =	swait.ge [sflag:s6], $0x3000  }
0x123: {  	[sflag:s6] =	ssyncset.done $0x0  }
0x124: {  	[sflag:s6] =	ssyncadd.s32 $0xFFFFD000  }
0x125: {  	_ =	swait.ge [sflag:s6], $0x3000  }
0x126: {  	[sflag:s6] =	ssyncset.done $0x0  }
0x127: {  	[sflag:s6] =	ssyncadd.s32 $0xFFFFD000  }
0x128: {  	_ =	swait.ge [sflag:s6], $0x3000  }
0x129: {  	[sflag:s6] =	ssyncset.done $0x0  }
0x12a: {  	[sflag:s6] =	ssyncadd.s32 $0xFFFFD000  }
0x12b: {  	_ =	swait.ge [sflag:s6], $0x3000  }
0x12c: {  	[sflag:s6] =	ssyncset.done $0x0  }
0x12d: {  	[sflag:s6] =	ssyncadd.s32 $0xFFFFD000  }
0x12e: {  	_ =	swait.ge [sflag:s6], $0x3000  }
0x12f: {  	[sflag:s6] =	ssyncset.done $0x0  }
0x130: {  	[sflag:s6] =	ssyncadd.s32 $0xFFFFD000  }
0x131: {  	_ =	swait.ge [sflag:s6], $0x3000  }
0x132: {  	[sflag:s6] =	ssyncset.done $0x0  }
0x133: {  	[sflag:s6] =	ssyncadd.s32 $0xFFFFD000  }
0x134: {  	_ =	swait.ge [sflag:s6], $0x3000  }
0x135: {  	[sflag:s6] =	ssyncset.done $0x0  }
0x136: {  	[sflag:s6] =	ssyncadd.s32 $0xFFFFD000  }
0x137: {  	_ =	swait.ge [sflag:s6], $0x3000  }
0x138: {  	[sflag:s6] =	ssyncset.done $0x0  }
0x139: {  	[sflag:s6] =	ssyncadd.s32 $0xFFFFD000  }
0x13a: {  	_ =	swait.ge [sflag:s6], $0x3000  }
0x13b: {  	[sflag:s6] =	ssyncset.done $0x0  }
0x13c: {  	[sflag:s6] =	ssyncadd.s32 $0xFFFFD000  }
0x13d: {  	_ =	swait.ge [sflag:s6], $0x3000  }
0x13e: {  	[sflag:s6] =	ssyncset.done $0x0  }
0x13f: {  	[sflag:s6] =	ssyncadd.s32 $0xFFFFD000  }
0x140: {  	_ =	swait.ge [sflag:s6], $0x3000  }
0x141: {  	[sflag:s6] =	ssyncset.done $0x0  }
0x142: {  	[sflag:s6] =	ssyncadd.s32 $0xFFFFD000  }
0x143: {  	_ =	swait.ge [sflag:s6], $0x3000  }
0x144: {  	[sflag:s6] =	ssyncset.done $0x0  }
0x145: {  	[sflag:s6] =	ssyncadd.s32 $0xFFFFD000  }
0x146: {  	_ =	swait.ge [sflag:s6], $0x3000  }
0x147: {  	[sflag:s6] =	ssyncset.done $0x0  }
0x148: {  	[sflag:s6] =	ssyncadd.s32 $0xFFFFD000  }
0x149: {  	_ =	swait.ge [sflag:s6], $0x3000  }
0x14a: {  	[sflag:s6] =	ssyncset.done $0x0  }
0x14b: {  	[sflag:s6] =	ssyncadd.s32 $0xFFFFD000  }
0x14c: {  	_ =	swait.ge [sflag:s6], $0x3000  }
0x14d: {  	[sflag:s6] =	ssyncset.done $0x0  }
0x14e: {  	[sflag:s6] =	ssyncadd.s32 $0xFFFFD000  }
0x14f: {  	_ =	swait.ge [sflag:s6], $0x3000  }
0x150: {  	[sflag:s6] =	ssyncset.done $0x0  }
0x151: {  	[sflag:s6] =	ssyncadd.s32 $0xFFFFD000  }
0x152: {  	_ =	swait.ge [sflag:s6], $0x3000  }
0x153: {  	[sflag:s6] =	ssyncset.done $0x0  }
0x154: {  	[sflag:s6] =	ssyncadd.s32 $0xFFFFD000  }
0x155: {  	_ =	swait.ge [sflag:s6], $0x3000  }
0x156: {  	[sflag:s6] =	ssyncset.done $0x0  }
0x157: {  	[sflag:s6] =	ssyncadd.s32 $0xFFFFD000  }
0x158: {  	_ =	swait.ge [sflag:s6], $0x3000  }
0x159: {  	[sflag:s6] =	ssyncset.done $0x0  }
0x15a: {  	[sflag:s6] =	ssyncadd.s32 $0xFFFFD000  }
0x15b: {  	_ =	swait.ge [sflag:s6], $0x3000  }
0x15c: {  	[sflag:s6] =	ssyncset.done $0x0  }
0x15d: {  	[sflag:s6] =	ssyncadd.s32 $0xFFFFD000  }
0x15e: {  	_ =	swait.ge [sflag:s6], $0x3000  }
0x15f: {  	[sflag:s6] =	ssyncset.done $0x0  }
0x160: {  	[sflag:s6] =	ssyncadd.s32 $0xFFFFD000  }
0x161: {  	_ =	swait.ge [sflag:s6], $0x3000  }
0x162: {  	[sflag:s6] =	ssyncset.done $0x0  }
0x163: {  	[sflag:s6] =	ssyncadd.s32 $0xFFFFD000  }
0x164: {  	_ =	swait.ge [sflag:s6], $0x3000  }
0x165: {  	[sflag:s6] =	ssyncset.done $0x0  }
0x166: {  	[sflag:s6] =	ssyncadd.s32 $0xFFFFD000  }
0x167: {  	_ =	swait.ge [sflag:s6], $0x3000  }
0x168: {  	[sflag:s6] =	ssyncset.done $0x0  }
0x169: {  	[sflag:s6] =	ssyncadd.s32 $0xFFFFD000  }
0x16a: {  	_ =	swait.ge [sflag:s6], $0x3000  }
0x16b: {  	[sflag:s6] =	ssyncset.done $0x0  }
0x16c: {  	[sflag:s6] =	ssyncadd.s32 $0xFFFFD000  }
0x16d: {  	_ =	swait.ge [sflag:s6], $0x3000  }
0x16e: {  	[sflag:s6] =	ssyncset.done $0x0  }
0x16f: {  	p0 =	sne.s32 s1, $0x1;
	[sflag:s6] =	ssyncadd.s32 $0xFFFFD000  }
.Ltmp1:
0x170: {  	_ =	swait.ge [sflag:s6], $0x3000;
	(pc) =	sbr.rel @p0 .LBB2_1-.Ltmp1, $4  }
0x171: {  	[sflag:s6] =	ssyncset.done $0x0  }
0x172: {  	[sflag:s6] =	ssyncadd.s32 $0xFFFFD000  }
0x173: {  	_ =	swait.ge [sflag:s6], $0x3000  }
0x174: {  	s1 =	sadd.s32 $0xFFFFFFFF, s1;
	[sflag:s6] =	ssyncset.done $0x0  }
.LBB2_2:
0x175: {  	[sflag:s6] =	ssyncadd.s32 $0xFFFFD000  }
0x176: {  	_ =	swait.ge [sflag:s6], $0x3000  }
0x177: {  	[sflag:s6] =	ssyncset.done $0x0  }
0x178: {  	[sflag:s6] =	ssyncadd.s32 $0xFFFFD000  }
0x179: {  	_ =	swait.ge [sflag:s6], $0x3000  }
0x17a: {  	[sflag:s6] =	ssyncset.done $0x0  }
0x17b: {  	[sflag:s6] =	ssyncadd.s32 $0xFFFFD000  }
0x17c: {  	_ =	sfence.sel $0x180000  }
0x17d: {  	[bflag:$0x0] =	sbarrier.arrive $0xFFFF  }
0x17e: {  	_ =	strace $0x90000047  }
0x17f: {  	s0 =	stileid.u32;
	[bflag:$0x2] =	sbarrier.arrive $0xFFFF  }
0x180: {  	p0 =	sne.s32 s0, $0x0;
	s0 =	rddreg [dreg:$0x2]  }
0x181: {  	s0 =	sadd.s32 @!p0 $0x100000, s0  }
0x182: {  	[sflag:s0] =	ssyncadd.tile.s32 @!p0 $0x1;
	_ =	shalt  }
.Lfunc_end2:
_tile_overlayer_lowered:
.L_overlay_start_2:
0x183: {  	(tag) =	ssettag $0x2  }
0x184: {  	s0 =	rddreg [dreg:$0x0];
	s2 =	stileid.u32  }
0x185: {  	s1 =	rddreg [dreg:$0x1];
	p0 =	sne.s32 s2, $0x0  }
0x186: {  	s3 =	rddreg [dreg:$0x2];
	[bflag:$0x3] =	sbarrier.arrive $0xFFFF;
	s2 =	simm.s32 @!p0 $0x1C02  }
0x187: {  	[timem:s3], [sflag:s2] =	dma.local @!p0 [hbm:s0], s1  }
0x188: {  	s0 =	simm.s32 @!p0 $0x2  }
0x189: {  	_ =	swait.ge @!p0 [sflag:s0], s1  }
0x18a: {  	s1 =	ssub.s32 @!p0 $0x0, s1;
	[sflag:s0] =	ssyncset.done @!p0 $0x0  }
0x18b: {  	[sflag:s0] =	ssyncadd.s32 @!p0 s1  }
0x18c: {  	[bflag:$0x3] =	sbarrier.arrive $0xFFFF  }
0x18d: {  	_ =	shalt  }

</sc_bundles>
